<compile_context>
chip_gen: v7x
topology: tpu7x:2x2x1
jax: 0.10.2.dev20260603
libtpu: 0.0.44.dev20260713+nightly
codegen_flags: <defaults>
</compile_context>

<pallas_src>
import functools

import jax
import jax.numpy as jnp
from jax import lax
from jax.experimental import pallas as pl
from jax.experimental.pallas import tpu as pltpu
from jax.experimental.pallas import tpu_sc as plsc

N = 10000
NP = 10240
E = 320000
IN_CH = 128
HID = 256
OUT_CH = 128
TECS = 16
K = 128
EPT = E // TECS
CH = 160
PAD = CH * K - EPT
G = 32
NG = CH // G
EPT2 = E // 32
KE = 96
CHE = 210
PADE = CHE * KE - EPT
GE = 42
NGE = CHE // GE
CHE2 = 105
PADE2 = CHE2 * KE - EPT2
GE2 = 21
NGE2 = CHE2 // GE2
RP = NP // TECS

def _mesh():
    return plsc.VectorSubcoreMesh(core_axis_name="c", subcore_axis_name="s",
                                  num_cores=2, num_subcores=TECS)


def _deg_body(dst_hbm, out_hbm, dst_v, ones_v, acc):
    c = lax.axis_index("c")
    s = lax.axis_index("s")

    def fill(i, carry):
        ones_v[pl.ds(i * 16, 16)] = jnp.full((16,), 1.0, jnp.float32)
        return carry

    lax.fori_loop(0, NP // 16, fill, 0)
    pltpu.sync_copy(dst_hbm.at[s], dst_v)

    @pl.when(s == 0)
    def _():
        pltpu.sync_copy(ones_v, acc)

    plsc.subcore_barrier()

    half = CH // 2
    def body(j, carry):
        pltpu.sync_copy(ones_v.at[pl.ds(0, K)], acc.at[dst_v.at[j]], add=True)
        return carry

    lax.fori_loop(half * c, half * (c + 1), body, 0)
    plsc.subcore_barrier()
    pltpu.sync_copy(acc.at[pl.ds(s * RP, RP)], out_hbm.at[c, pl.ds(s * RP, RP)])


def _make_edge_body(colsplit, g_, ng_):
    def body_fn(ys_hbm, src_hbm, dst_hbm, out_hbm,
                src_v, dst_v, rows0, rows1, rows2, acc, sem0, sem1, sem2):
        c = lax.axis_index("c")
        s = lax.axis_index("s")
        rows = (rows0, rows1, rows2)
        sems = (sem0, sem1, sem2)
        init = (c * NP if colsplit else 0) + s * RP
        pltpu.sync_copy(ys_hbm.at[pl.ds(init, RP)], acc.at[pl.ds(s * RP, RP)])
        plsc.subcore_barrier()

        def group(g, carry):
            pltpu.sync_copy(src_hbm.at[c, s, g], src_v)
            pltpu.sync_copy(dst_hbm.at[c, s, g], dst_v)
            pltpu.async_copy(ys_hbm.at[src_v.at[0]], rows0, sem0)
            pltpu.async_copy(ys_hbm.at[src_v.at[1]], rows1, sem1)

            def tri(i, carry2):
                j = 3 * i
                for t in range(3):
                    b, bn = rows[t], rows[(t + 2) % 3]
                    sm, smn = sems[t], sems[(t + 2) % 3]
                    pltpu.make_async_copy(
                        ys_hbm.at[src_v.at[j + t]], b, sm).wait()

                    @pl.when(j + t + 2 < g_)
                    def _():
                        pltpu.async_copy(
                            ys_hbm.at[src_v.at[j + t + 2]], bn, smn)

                    pltpu.sync_copy(b, acc.at[dst_v.at[j + t]], add=True)
                return carry2

            return lax.fori_loop(0, g_ // 3, tri, carry)

        lax.fori_loop(0, ng_, group, 0)
        plsc.subcore_barrier()
        pltpu.sync_copy(acc.at[pl.ds(s * RP, RP)],
                        out_hbm.at[pl.ds(c * NP + s * RP, RP)])

    return body_fn


@functools.cache
def _sc_kernels():
    deg = pl.kernel(
        _deg_body,
        out_type=jax.ShapeDtypeStruct((2, NP), jnp.float32),
        mesh=_mesh(),
        scratch_types=[
            pltpu.VMEM((CH, K), jnp.int32),
            pltpu.VMEM((NP,), jnp.float32),
            pltpu.VMEM_SHARED((NP,), jnp.float32),
        ],
    )
    def edge(colsplit, g, ng, dt):
        return pl.kernel(
            _make_edge_body(colsplit, g, ng),
            out_type=jax.ShapeDtypeStruct((2 * NP, 128), dt),
            mesh=_mesh(),
            scratch_types=[
                pltpu.VMEM((g, KE), jnp.int32),
                pltpu.VMEM((g, KE), jnp.int32),
                pltpu.VMEM((KE, 128), dt),
                pltpu.VMEM((KE, 128), dt),
                pltpu.VMEM((KE, 128), dt),
                pltpu.VMEM_SHARED((NP, 128), dt),
                pltpu.SemaphoreType.DMA,
                pltpu.SemaphoreType.DMA,
                pltpu.SemaphoreType.DMA,
            ],
        )
    return (deg, edge(True, GE, NGE, jnp.float32),
            edge(False, GE2, NGE2, jnp.float32))


_TILE = 5120
_GRID = NP // _TILE


def _dinv_of(degp_ref):
    d = degp_ref[0] + degp_ref[1] - 1.0
    return lax.rsqrt(jnp.maximum(d, 1.0))


def _mm1_body(x_ref, w_ref, degp_ref, o_ref):
    dinv = _dinv_of(degp_ref)
    y = jnp.dot(x_ref[...], w_ref[...],
                preferred_element_type=jnp.float32) * dinv[:, None]
    o_ref[0] = y[:, :128]
    o_ref[1] = y[:, 128:]


def _mm1(xp, W1, degp):
    return pl.pallas_call(
        _mm1_body,
        grid=(_GRID,),
        in_specs=[
            pl.BlockSpec((_TILE, IN_CH), lambda i: (i, 0)),
            pl.BlockSpec((IN_CH, HID), lambda i: (0, 0)),
            pl.BlockSpec((2, _TILE), lambda i: (0, i)),
        ],
        out_specs=pl.BlockSpec((2, _TILE, 128), lambda i: (0, i, 0)),
        out_shape=jax.ShapeDtypeStruct((2, NP, 128), jnp.float32),
    )(xp, W1, degp)


def _mm2_body(acc_ref, degp_ref, b1_ref, w_ref, o_ref):
    dinv = _dinv_of(degp_ref)
    a = jnp.concatenate([acc_ref[0], acc_ref[1]], axis=1)
    h = jax.nn.relu(a * dinv[:, None] + b1_ref[0][None, :])
    y2 = jnp.dot(h, w_ref[...],
                 preferred_element_type=jnp.float32) * dinv[:, None]
    o_ref[...] = y2


def _mm2(acc1, degp, b1, W2):
    return pl.pallas_call(
        _mm2_body,
        grid=(_GRID,),
        in_specs=[
            pl.BlockSpec((2, _TILE, 128), lambda i: (0, i, 0)),
            pl.BlockSpec((2, _TILE), lambda i: (0, i)),
            pl.BlockSpec((1, HID), lambda i: (0, 0)),
            pl.BlockSpec((HID, OUT_CH), lambda i: (0, 0)),
        ],
        out_specs=pl.BlockSpec((_TILE, OUT_CH), lambda i: (i, 0)),
        out_shape=jax.ShapeDtypeStruct((NP, OUT_CH), jnp.float32),
    )(acc1, degp, b1, W2)


def _mm3_body(acc_ref, y2_ref, degp_ref, b2_ref, o_ref):
    dinv = _dinv_of(degp_ref)
    a = acc_ref[0] + acc_ref[1] - y2_ref[...]
    o_ref[...] = a * dinv[:, None] + b2_ref[0][None, :]


def _mm3(acc2, y2, degp, b2):
    return pl.pallas_call(
        _mm3_body,
        grid=(_GRID,),
        in_specs=[
            pl.BlockSpec((2, _TILE, OUT_CH), lambda i: (0, i, 0)),
            pl.BlockSpec((_TILE, OUT_CH), lambda i: (i, 0)),
            pl.BlockSpec((2, _TILE), lambda i: (0, i)),
            pl.BlockSpec((1, OUT_CH), lambda i: (0, 0)),
        ],
        out_specs=pl.BlockSpec((_TILE, OUT_CH), lambda i: (i, 0)),
        out_shape=jax.ShapeDtypeStruct((NP, OUT_CH), jnp.float32),
    )(acc2, y2, degp, b2)


def kernel(x, edge_index, W1, b1, W2, b2):
    e = edge_index.astype(jnp.int32)
    src, dst = e[0], e[1]
    padvals = N + (jnp.arange(PAD, dtype=jnp.int32) % (NP - N))
    pad_blk = jnp.broadcast_to(padvals, (TECS, PAD))
    dst_c = jnp.concatenate([dst.reshape(TECS, EPT), pad_blk], 1).reshape(TECS, CH, K)

    padv_e = N + (jnp.arange(PADE, dtype=jnp.int32) % (NP - N))
    pad_e = jnp.broadcast_to(padv_e, (TECS, PADE))
    src_e = jnp.concatenate([src.reshape(TECS, EPT), pad_e], 1).reshape(
        TECS, NGE, GE, KE)
    dst_e = jnp.concatenate([dst.reshape(TECS, EPT), pad_e], 1).reshape(
        TECS, NGE, GE, KE)
    src_c2 = jnp.stack([src_e, src_e + NP])
    dst_c2 = jnp.stack([dst_e, dst_e])

    padv_e2 = N + (jnp.arange(PADE2, dtype=jnp.int32) % (NP - N))
    pad_e2 = jnp.broadcast_to(padv_e2, (2, TECS, PADE2))
    src_l2 = jnp.concatenate(
        [src.reshape(2, TECS, EPT2), pad_e2], 2).reshape(
            2, TECS, NGE2, GE2, KE)
    dst_l2 = jnp.concatenate(
        [dst.reshape(2, TECS, EPT2), pad_e2], 2).reshape(
            2, TECS, NGE2, GE2, KE)

    xp = jnp.concatenate(
        [x, jnp.zeros((NP - N, IN_CH), jnp.float32)], axis=0)

    _deg_kernel, _edge_l1, _edge_l2 = _sc_kernels()
    degp = _deg_kernel(dst_c)
    y1 = _mm1(xp, W1, degp)
    acc1 = _edge_l1(y1.reshape(2 * NP, 128), src_c2, dst_c2)
    y2 = _mm2(acc1.reshape(2, NP, 128), degp, b1.reshape(1, HID), W2)
    acc2 = _edge_l2(y2, src_l2, dst_l2)
    out = _mm3(acc2.reshape(2, NP, 128), y2, degp, b2.reshape(1, OUT_CH))
    return out[:N]

# --- scband reference (transcript-rebuilt; emitter-appended) ---
"""Pipeline reference for scband-gcnencoder-53120155517005 (READ-ONLY COPY).

The authoritative reference and input builder live on the scoring server;
editing this copy changes nothing except your own understanding.
"""

import jax, jax.numpy as jnp
import numpy as np

N_NODES = 10000
N_EDGES = 320000
IN_CH = 128
OUT_CH = 128
HID = 2 * OUT_CH


def setup_inputs(seed: int = 0) -> dict:
    key = jax.random.key(seed)
    k1, k2, k3, k4, k5, k6 = jax.random.split(key, 6)
    x = jax.random.normal(k1, (N_NODES, IN_CH), dtype=jnp.float32)
    edge_index = jax.random.randint(k2, (2, N_EDGES), 0, N_NODES, dtype=jnp.int64)
    # GCNConv params (glorot-style init, zero bias like PyG defaults)
    W1 = jax.random.normal(k3, (IN_CH, HID), dtype=jnp.float32) * (1.0 / np.sqrt(IN_CH))
    b1 = jnp.zeros((HID,), dtype=jnp.float32)
    W2 = jax.random.normal(k4, (HID, OUT_CH), dtype=jnp.float32) * (1.0 / np.sqrt(HID))
    b2 = jnp.zeros((OUT_CH,), dtype=jnp.float32)
    return {"x": x, "edge_index": edge_index, "W1": W1, "b1": b1, "W2": W2, "b2": b2}


def _gcn_conv(x, src, dst, W, b):
    # x: [N, F_in], src/dst: [E'] (self loops already appended)
    N = x.shape[0]
    # symmetric normalization: deg computed on dst with self loops
    deg = jnp.zeros((N,), dtype=x.dtype).at[dst].add(1.0)
    dinv = jnp.where(deg > 0, jax.lax.rsqrt(deg), 0.0)
    norm = dinv[src] * dinv[dst]
    xw = x @ W
    msg = jnp.take(xw, src, axis=0) * norm[:, None]
    out = jnp.zeros((N, W.shape[1]), dtype=x.dtype).at[dst].add(msg)
    return out + b


def reference(x, edge_index, W1, b1, W2, b2):
    N = x.shape[0]
    loop = jnp.arange(N, dtype=edge_index.dtype)
    src = jnp.concatenate([edge_index[0], loop])
    dst = jnp.concatenate([edge_index[1], loop])
    h = _gcn_conv(x, src, dst, W1, b1)
    h = jax.nn.relu(h)
    out = _gcn_conv(h, src, dst, W2, b2)
    return out

if __name__ == "__main__":
    import jax
    _d = setup_inputs()
    print(jax.jit(kernel)(*tuple(_d.values())))

</pallas_src>

<mosaic_0001>
#map = affine_map<(d0, d1) -> (0, 0)>
#map1 = affine_map<(d0, d1) -> (0, 0, 0, 0, 0)>
module attributes {stable_mosaic.version = 14 : i64} {
  func.func @body_fn(%arg0: i32, %arg1: i32, %arg2: memref<10240x128xf32, #tpu.memory_space<hbm>>, %arg3: memref<2x16x5x21x96xi32, #tpu.memory_space<hbm>>, %arg4: memref<2x16x5x21x96xi32, #tpu.memory_space<hbm>>, %arg5: memref<20480x128xf32, #tpu.memory_space<hbm>>, %arg6: memref<21x96xi32, #tpu.memory_space<vmem>>, %arg7: memref<21x96xi32, #tpu.memory_space<vmem>>, %arg8: memref<96x128xf32, #tpu.memory_space<vmem>>, %arg9: memref<96x128xf32, #tpu.memory_space<vmem>>, %arg10: memref<96x128xf32, #tpu.memory_space<vmem>>, %arg11: memref<10240x128xf32, #tpu.memory_space<vmem_shared>>, %arg12: memref<!tpu.dma_semaphore, #tpu.memory_space<semaphore_mem>>, %arg13: memref<!tpu.dma_semaphore, #tpu.memory_space<semaphore_mem>>, %arg14: memref<!tpu.dma_semaphore, #tpu.memory_space<semaphore_mem>>) attributes {dimension_semantics = [#tpu.dimension_semantics<core_parallel>, #tpu.dimension_semantics<subcore_parallel>], iteration_bounds = array<i64: 2, 16>, scalar_prefetch = 0 : i64, scratch_operands = 9 : i64, tpu.core_type = #tpu.core_type<sc_vector_subcore>, window_params = [{transform_indices = #map}, {transform_indices = #map1}, {transform_indices = #map1}, {transform_indices = #map}]} {
    %mul3A = arith.constant 640 : i32
    %mul3A_0 = arith.muli %arg1, %mul3A : i32
    %add3A = arith.constant 0 : i32
    %add3A_1 = arith.addi %add3A, %mul3A_0 : i32
    %mul3A_2 = arith.constant 640 : i32
    %mul3A_3 = arith.muli %arg1, %mul3A_2 : i32
    "tpu.region"() ({
      %run_scoped3A = tpu.sem_alloc : memref<!tpu.dma_semaphore, #tpu.memory_space<semaphore_mem>>
      %dma_start3A = arith.constant 0 : i32
      %dma_start3A_17 = tpu.memref_slice %arg11[%mul3A_3, %dma_start3A] : memref<10240x128xf32, #tpu.memory_space<vmem_shared>> -> memref<640x128xf32, #tpu.memory_space<vmem_shared>>
      %dma_start3A_18 = arith.constant 0 : i32
      %dma_start3A_19 = tpu.memref_slice %arg2[%add3A_1, %dma_start3A_18] : memref<10240x128xf32, #tpu.memory_space<hbm>> -> memref<640x128xf32, #tpu.memory_space<hbm>>
      tpu.enqueue_dma source(%dma_start3A_19 : memref<640x128xf32, #tpu.memory_space<hbm>>) target(%dma_start3A_17 : memref<640x128xf32, #tpu.memory_space<vmem_shared>>) target_semaphore(%run_scoped3A : memref<!tpu.dma_semaphore, #tpu.memory_space<semaphore_mem>>)
      %dma_wait3A = arith.constant 0 : i32
      %dma_wait3A_20 = tpu.memref_slice %arg11[%mul3A_3, %dma_wait3A] : memref<10240x128xf32, #tpu.memory_space<vmem_shared>> -> memref<640x128xf32, #tpu.memory_space<vmem_shared>>
      %dma_wait3A_21 = arith.constant 0 : i32
      %dma_wait3A_22 = tpu.memref_slice %arg2[%add3A_1, %dma_wait3A_21] : memref<10240x128xf32, #tpu.memory_space<hbm>> -> memref<640x128xf32, #tpu.memory_space<hbm>>
      tpu.wait_dma2 semaphore(%run_scoped3A : memref<!tpu.dma_semaphore, #tpu.memory_space<semaphore_mem>>) src(%dma_wait3A_22 : memref<640x128xf32, #tpu.memory_space<hbm>>) dst(%dma_wait3A_20 : memref<640x128xf32, #tpu.memory_space<vmem_shared>>)
      tpu.yield
    }) : () -> ()
    %barrier3A = arith.constant 0 : index
    tpu.barrier barrier_id(%barrier3A)
    %scan3A = arith.constant 0 : i32
    %scan3A_4 = arith.constant 0 : i32
    %scan3A_5 = arith.constant 5 : i32
    %scan3A_6 = arith.addi %scan3A_4, %scan3A_5 : i32
    %scan3A_7 = arith.constant 1 : i32
    scf.for %scan3A_17 = %scan3A_4 to %scan3A_6 step %scan3A_7  : i32 {
      "tpu.region"() ({
        %run_scoped3A = tpu.sem_alloc : memref<!tpu.dma_semaphore, #tpu.memory_space<semaphore_mem>>
        %dma_start3A_36 = arith.constant 0 : i32
        %dma_start3A_37 = arith.constant 0 : i32
        %dma_start3A_38 = tpu.memref_slice %arg3[%arg0, %arg1, %scan3A_17, %dma_start3A_36, %dma_start3A_37] : memref<2x16x5x21x96xi32, #tpu.memory_space<hbm>> -> memref<1x1x1x21x96xi32, #tpu.memory_space<hbm>>
        %dma_start3A_39 = tpu.memref_squeeze %dma_start3A_38 : memref<1x1x1x21x96xi32, #tpu.memory_space<hbm>> -> memref<21x96xi32, #tpu.memory_space<hbm>>
        %dma_start3A_40 = arith.constant 0 : i32
        %dma_start3A_41 = arith.constant 0 : i32
        %dma_start3A_42 = tpu.memref_slice %arg3[%arg0, %arg1, %scan3A_17, %dma_start3A_40, %dma_start3A_41] : memref<2x16x5x21x96xi32, #tpu.memory_space<hbm>> -> memref<1x1x1x21x96xi32, #tpu.memory_space<hbm>>
        %dma_start3A_43 = tpu.memref_squeeze %dma_start3A_42 : memref<1x1x1x21x96xi32, #tpu.memory_space<hbm>> -> memref<21x96xi32, #tpu.memory_space<hbm>>
        tpu.enqueue_dma source(%dma_start3A_43 : memref<21x96xi32, #tpu.memory_space<hbm>>) target(%arg6 : memref<21x96xi32, #tpu.memory_space<vmem>>) target_semaphore(%run_scoped3A : memref<!tpu.dma_semaphore, #tpu.memory_space<semaphore_mem>>)
        %dma_wait3A = arith.constant 0 : i32
        %dma_wait3A_44 = arith.constant 0 : i32
        %dma_wait3A_45 = tpu.memref_slice %arg3[%arg0, %arg1, %scan3A_17, %dma_wait3A, %dma_wait3A_44] : memref<2x16x5x21x96xi32, #tpu.memory_space<hbm>> -> memref<1x1x1x21x96xi32, #tpu.memory_space<hbm>>
        %dma_wait3A_46 = tpu.memref_squeeze %dma_wait3A_45 : memref<1x1x1x21x96xi32, #tpu.memory_space<hbm>> -> memref<21x96xi32, #tpu.memory_space<hbm>>
        %dma_wait3A_47 = arith.constant 0 : i32
        %dma_wait3A_48 = arith.constant 0 : i32
        %dma_wait3A_49 = tpu.memref_slice %arg3[%arg0, %arg1, %scan3A_17, %dma_wait3A_47, %dma_wait3A_48] : memref<2x16x5x21x96xi32, #tpu.memory_space<hbm>> -> memref<1x1x1x21x96xi32, #tpu.memory_space<hbm>>
        %dma_wait3A_50 = tpu.memref_squeeze %dma_wait3A_49 : memref<1x1x1x21x96xi32, #tpu.memory_space<hbm>> -> memref<21x96xi32, #tpu.memory_space<hbm>>
        tpu.wait_dma2 semaphore(%run_scoped3A : memref<!tpu.dma_semaphore, #tpu.memory_space<semaphore_mem>>) src(%dma_wait3A_50 : memref<21x96xi32, #tpu.memory_space<hbm>>) dst(%arg6 : memref<21x96xi32, #tpu.memory_space<vmem>>)
        tpu.yield
      }) : () -> ()
      "tpu.region"() ({
        %run_scoped3A = tpu.sem_alloc : memref<!tpu.dma_semaphore, #tpu.memory_space<semaphore_mem>>
        %dma_start3A_36 = arith.constant 0 : i32
        %dma_start3A_37 = arith.constant 0 : i32
        %dma_start3A_38 = tpu.memref_slice %arg4[%arg0, %arg1, %scan3A_17, %dma_start3A_36, %dma_start3A_37] : memref<2x16x5x21x96xi32, #tpu.memory_space<hbm>> -> memref<1x1x1x21x96xi32, #tpu.memory_space<hbm>>
        %dma_start3A_39 = tpu.memref_squeeze %dma_start3A_38 : memref<1x1x1x21x96xi32, #tpu.memory_space<hbm>> -> memref<21x96xi32, #tpu.memory_space<hbm>>
        %dma_start3A_40 = arith.constant 0 : i32
        %dma_start3A_41 = arith.constant 0 : i32
        %dma_start3A_42 = tpu.memref_slice %arg4[%arg0, %arg1, %scan3A_17, %dma_start3A_40, %dma_start3A_41] : memref<2x16x5x21x96xi32, #tpu.memory_space<hbm>> -> memref<1x1x1x21x96xi32, #tpu.memory_space<hbm>>
        %dma_start3A_43 = tpu.memref_squeeze %dma_start3A_42 : memref<1x1x1x21x96xi32, #tpu.memory_space<hbm>> -> memref<21x96xi32, #tpu.memory_space<hbm>>
        tpu.enqueue_dma source(%dma_start3A_43 : memref<21x96xi32, #tpu.memory_space<hbm>>) target(%arg7 : memref<21x96xi32, #tpu.memory_space<vmem>>) target_semaphore(%run_scoped3A : memref<!tpu.dma_semaphore, #tpu.memory_space<semaphore_mem>>)
        %dma_wait3A = arith.constant 0 : i32
        %dma_wait3A_44 = arith.constant 0 : i32
        %dma_wait3A_45 = tpu.memref_slice %arg4[%arg0, %arg1, %scan3A_17, %dma_wait3A, %dma_wait3A_44] : memref<2x16x5x21x96xi32, #tpu.memory_space<hbm>> -> memref<1x1x1x21x96xi32, #tpu.memory_space<hbm>>
        %dma_wait3A_46 = tpu.memref_squeeze %dma_wait3A_45 : memref<1x1x1x21x96xi32, #tpu.memory_space<hbm>> -> memref<21x96xi32, #tpu.memory_space<hbm>>
        %dma_wait3A_47 = arith.constant 0 : i32
        %dma_wait3A_48 = arith.constant 0 : i32
        %dma_wait3A_49 = tpu.memref_slice %arg4[%arg0, %arg1, %scan3A_17, %dma_wait3A_47, %dma_wait3A_48] : memref<2x16x5x21x96xi32, #tpu.memory_space<hbm>> -> memref<1x1x1x21x96xi32, #tpu.memory_space<hbm>>
        %dma_wait3A_50 = tpu.memref_squeeze %dma_wait3A_49 : memref<1x1x1x21x96xi32, #tpu.memory_space<hbm>> -> memref<21x96xi32, #tpu.memory_space<hbm>>
        tpu.wait_dma2 semaphore(%run_scoped3A : memref<!tpu.dma_semaphore, #tpu.memory_space<semaphore_mem>>) src(%dma_wait3A_50 : memref<21x96xi32, #tpu.memory_space<hbm>>) dst(%arg7 : memref<21x96xi32, #tpu.memory_space<vmem>>)
        tpu.yield
      }) : () -> ()
      %dma_start3A = arith.constant 0 : i32
      %dma_start3A_18 = arith.constant 0 : i32
      %dma_start3A_19 = tpu.memref_slice %arg6[%dma_start3A, %dma_start3A_18] : memref<21x96xi32, #tpu.memory_space<vmem>> -> memref<1x96xi32, #tpu.memory_space<vmem>>
      %dma_start3A_20 = tpu.memref_squeeze %dma_start3A_19 : memref<1x96xi32, #tpu.memory_space<vmem>> -> memref<96xi32, #tpu.memory_space<vmem>>
      %dma_start3A_21 = arith.constant 0 : i32
      %dma_start3A_22 = arith.constant 0 : i32
      %dma_start3A_23 = tpu.memref_slice %arg2[%dma_start3A_21, %dma_start3A_22] : memref<10240x128xf32, #tpu.memory_space<hbm>> -> memref<10240x128xf32, #tpu.memory_space<hbm>>
      tpu.enqueue_indirect_dma source(%dma_start3A_23 : memref<10240x128xf32, #tpu.memory_space<hbm>>) target(%arg8 : memref<96x128xf32, #tpu.memory_space<vmem>>) offsets(%dma_start3A_20 : memref<96xi32, #tpu.memory_space<vmem>>) semaphore(%arg12 : memref<!tpu.dma_semaphore, #tpu.memory_space<semaphore_mem>>)
      %dma_start3A_24 = arith.constant 1 : i32
      %dma_start3A_25 = arith.constant 0 : i32
      %dma_start3A_26 = tpu.memref_slice %arg6[%dma_start3A_24, %dma_start3A_25] : memref<21x96xi32, #tpu.memory_space<vmem>> -> memref<1x96xi32, #tpu.memory_space<vmem>>
      %dma_start3A_27 = tpu.memref_squeeze %dma_start3A_26 : memref<1x96xi32, #tpu.memory_space<vmem>> -> memref<96xi32, #tpu.memory_space<vmem>>
      %dma_start3A_28 = arith.constant 0 : i32
      %dma_start3A_29 = arith.constant 0 : i32
      %dma_start3A_30 = tpu.memref_slice %arg2[%dma_start3A_28, %dma_start3A_29] : memref<10240x128xf32, #tpu.memory_space<hbm>> -> memref<10240x128xf32, #tpu.memory_space<hbm>>
      tpu.enqueue_indirect_dma source(%dma_start3A_30 : memref<10240x128xf32, #tpu.memory_space<hbm>>) target(%arg9 : memref<96x128xf32, #tpu.memory_space<vmem>>) offsets(%dma_start3A_27 : memref<96xi32, #tpu.memory_space<vmem>>) semaphore(%arg13 : memref<!tpu.dma_semaphore, #tpu.memory_space<semaphore_mem>>)
      %scan3A_31 = arith.constant 0 : i32
      %scan3A_32 = arith.constant 7 : i32
      %scan3A_33 = arith.addi %scan3A_31, %scan3A_32 : i32
      %scan3A_34 = arith.constant 1 : i32
      scf.for %scan3A_36 = %scan3A_31 to %scan3A_33 step %scan3A_34  : i32 {
        %mul3A_37 = arith.constant 3 : i32
        %mul3A_38 = arith.muli %mul3A_37, %scan3A_36 : i32
        %add3A_39 = arith.constant 0 : i32
        %add3A_40 = arith.addi %mul3A_38, %add3A_39 : i32
        %dma_wait3A = arith.constant 0 : i32
        %dma_wait3A_41 = tpu.memref_slice %arg6[%add3A_40, %dma_wait3A] : memref<21x96xi32, #tpu.memory_space<vmem>> -> memref<1x96xi32, #tpu.memory_space<vmem>>
        %dma_wait3A_42 = tpu.memref_squeeze %dma_wait3A_41 : memref<1x96xi32, #tpu.memory_space<vmem>> -> memref<96xi32, #tpu.memory_space<vmem>>
        %dma_wait3A_43 = arith.constant 0 : i32
        %dma_wait3A_44 = arith.constant 0 : i32
        %dma_wait3A_45 = tpu.memref_slice %arg2[%dma_wait3A_43, %dma_wait3A_44] : memref<10240x128xf32, #tpu.memory_space<hbm>> -> memref<10240x128xf32, #tpu.memory_space<hbm>>
        tpu.wait_indirect_dma semaphore(%arg12 : memref<!tpu.dma_semaphore, #tpu.memory_space<semaphore_mem>>) src(%dma_wait3A_45 : memref<10240x128xf32, #tpu.memory_space<hbm>>) dst(%arg8 : memref<96x128xf32, #tpu.memory_space<vmem>>)
        %add3A_46 = arith.constant 0 : i32
        %add3A_47 = arith.addi %mul3A_38, %add3A_46 : i32
        %add3A_48 = arith.constant 2 : i32
        %add3A_49 = arith.addi %add3A_47, %add3A_48 : i32
        %lt3A = arith.constant 21 : i32
        %lt3A_50 = arith.cmpi slt, %add3A_49, %lt3A : i32
        %convert_element_type3A = arith.extui %lt3A_50 : i1 to i32
        %cond3A = arith.constant 0 : i32
        %cond3A_51 = arith.cmpi ne, %convert_element_type3A, %cond3A : i32
        scf.if %cond3A_51 {
          %add3A_92 = arith.constant 0 : i32
          %add3A_93 = arith.addi %mul3A_38, %add3A_92 : i32
          %add3A_94 = arith.constant 2 : i32
          %add3A_95 = arith.addi %add3A_93, %add3A_94 : i32
          %dma_start3A_96 = arith.constant 0 : i32
          %dma_start3A_97 = tpu.memref_slice %arg6[%add3A_95, %dma_start3A_96] : memref<21x96xi32, #tpu.memory_space<vmem>> -> memref<1x96xi32, #tpu.memory_space<vmem>>
          %dma_start3A_98 = tpu.memref_squeeze %dma_start3A_97 : memref<1x96xi32, #tpu.memory_space<vmem>> -> memref<96xi32, #tpu.memory_space<vmem>>
          %dma_start3A_99 = arith.constant 0 : i32
          %dma_start3A_100 = arith.constant 0 : i32
          %dma_start3A_101 = tpu.memref_slice %arg2[%dma_start3A_99, %dma_start3A_100] : memref<10240x128xf32, #tpu.memory_space<hbm>> -> memref<10240x128xf32, #tpu.memory_space<hbm>>
          tpu.enqueue_indirect_dma source(%dma_start3A_101 : memref<10240x128xf32, #tpu.memory_space<hbm>>) target(%arg10 : memref<96x128xf32, #tpu.memory_space<vmem>>) offsets(%dma_start3A_98 : memref<96xi32, #tpu.memory_space<vmem>>) semaphore(%arg14 : memref<!tpu.dma_semaphore, #tpu.memory_space<semaphore_mem>>)
        } else {
        }
        %add3A_52 = arith.constant 0 : i32
        %add3A_53 = arith.addi %mul3A_38, %add3A_52 : i32
        "tpu.region"() ({
          %run_scoped3A = tpu.sem_alloc : memref<!tpu.dma_semaphore, #tpu.memory_space<semaphore_mem>>
          %dma_start3A_92 = arith.constant 0 : i32
          %dma_start3A_93 = tpu.memref_slice %arg7[%add3A_53, %dma_start3A_92] : memref<21x96xi32, #tpu.memory_space<vmem>> -> memref<1x96xi32, #tpu.memory_space<vmem>>
          %dma_start3A_94 = tpu.memref_squeeze %dma_start3A_93 : memref<1x96xi32, #tpu.memory_space<vmem>> -> memref<96xi32, #tpu.memory_space<vmem>>
          %dma_start3A_95 = arith.constant 0 : i32
          %dma_start3A_96 = arith.constant 0 : i32
          %dma_start3A_97 = tpu.memref_slice %arg11[%dma_start3A_95, %dma_start3A_96] : memref<10240x128xf32, #tpu.memory_space<vmem_shared>> -> memref<10240x128xf32, #tpu.memory_space<vmem_shared>>
          tpu.enqueue_indirect_dma source(%arg8 : memref<96x128xf32, #tpu.memory_space<vmem>>) target(%dma_start3A_97 : memref<10240x128xf32, #tpu.memory_space<vmem_shared>>) offsets(%dma_start3A_94 : memref<96xi32, #tpu.memory_space<vmem>>) semaphore(%run_scoped3A : memref<!tpu.dma_semaphore, #tpu.memory_space<semaphore_mem>>) {add = true}
          %dma_wait3A_98 = arith.constant 0 : i32
          %dma_wait3A_99 = tpu.memref_slice %arg7[%add3A_53, %dma_wait3A_98] : memref<21x96xi32, #tpu.memory_space<vmem>> -> memref<1x96xi32, #tpu.memory_space<vmem>>
          %dma_wait3A_100 = tpu.memref_squeeze %dma_wait3A_99 : memref<1x96xi32, #tpu.memory_space<vmem>> -> memref<96xi32, #tpu.memory_space<vmem>>
          %dma_wait3A_101 = arith.constant 0 : i32
          %dma_wait3A_102 = arith.constant 0 : i32
          %dma_wait3A_103 = tpu.memref_slice %arg11[%dma_wait3A_101, %dma_wait3A_102] : memref<10240x128xf32, #tpu.memory_space<vmem_shared>> -> memref<10240x128xf32, #tpu.memory_space<vmem_shared>>
          tpu.wait_indirect_dma semaphore(%run_scoped3A : memref<!tpu.dma_semaphore, #tpu.memory_space<semaphore_mem>>) src(%arg8 : memref<96x128xf32, #tpu.memory_space<vmem>>) dst(%dma_wait3A_103 : memref<10240x128xf32, #tpu.memory_space<vmem_shared>>)
          tpu.yield
        }) : () -> ()
        %add3A_54 = arith.constant 1 : i32
        %add3A_55 = arith.addi %mul3A_38, %add3A_54 : i32
        %dma_wait3A_56 = arith.constant 0 : i32
        %dma_wait3A_57 = tpu.memref_slice %arg6[%add3A_55, %dma_wait3A_56] : memref<21x96xi32, #tpu.memory_space<vmem>> -> memref<1x96xi32, #tpu.memory_space<vmem>>
        %dma_wait3A_58 = tpu.memref_squeeze %dma_wait3A_57 : memref<1x96xi32, #tpu.memory_space<vmem>> -> memref<96xi32, #tpu.memory_space<vmem>>
        %dma_wait3A_59 = arith.constant 0 : i32
        %dma_wait3A_60 = arith.constant 0 : i32
        %dma_wait3A_61 = tpu.memref_slice %arg2[%dma_wait3A_59, %dma_wait3A_60] : memref<10240x128xf32, #tpu.memory_space<hbm>> -> memref<10240x128xf32, #tpu.memory_space<hbm>>
        tpu.wait_indirect_dma semaphore(%arg13 : memref<!tpu.dma_semaphore, #tpu.memory_space<semaphore_mem>>) src(%dma_wait3A_61 : memref<10240x128xf32, #tpu.memory_space<hbm>>) dst(%arg9 : memref<96x128xf32, #tpu.memory_space<vmem>>)
        %add3A_62 = arith.constant 1 : i32
        %add3A_63 = arith.addi %mul3A_38, %add3A_62 : i32
        %add3A_64 = arith.constant 2 : i32
        %add3A_65 = arith.addi %add3A_63, %add3A_64 : i32
        %lt3A_66 = arith.constant 21 : i32
        %lt3A_67 = arith.cmpi slt, %add3A_65, %lt3A_66 : i32
        %convert_element_type3A_68 = arith.extui %lt3A_67 : i1 to i32
        %cond3A_69 = arith.constant 0 : i32
        %cond3A_70 = arith.cmpi ne, %convert_element_type3A_68, %cond3A_69 : i32
        scf.if %cond3A_70 {
          %add3A_92 = arith.constant 1 : i32
          %add3A_93 = arith.addi %mul3A_38, %add3A_92 : i32
          %add3A_94 = arith.constant 2 : i32
          %add3A_95 = arith.addi %add3A_93, %add3A_94 : i32
          %dma_start3A_96 = arith.constant 0 : i32
          %dma_start3A_97 = tpu.memref_slice %arg6[%add3A_95, %dma_start3A_96] : memref<21x96xi32, #tpu.memory_space<vmem>> -> memref<1x96xi32, #tpu.memory_space<vmem>>
          %dma_start3A_98 = tpu.memref_squeeze %dma_start3A_97 : memref<1x96xi32, #tpu.memory_space<vmem>> -> memref<96xi32, #tpu.memory_space<vmem>>
          %dma_start3A_99 = arith.constant 0 : i32
          %dma_start3A_100 = arith.constant 0 : i32
          %dma_start3A_101 = tpu.memref_slice %arg2[%dma_start3A_99, %dma_start3A_100] : memref<10240x128xf32, #tpu.memory_space<hbm>> -> memref<10240x128xf32, #tpu.memory_space<hbm>>
          tpu.enqueue_indirect_dma source(%dma_start3A_101 : memref<10240x128xf32, #tpu.memory_space<hbm>>) target(%arg8 : memref<96x128xf32, #tpu.memory_space<vmem>>) offsets(%dma_start3A_98 : memref<96xi32, #tpu.memory_space<vmem>>) semaphore(%arg12 : memref<!tpu.dma_semaphore, #tpu.memory_space<semaphore_mem>>)
        } else {
        }
        %add3A_71 = arith.constant 1 : i32
        %add3A_72 = arith.addi %mul3A_38, %add3A_71 : i32
        "tpu.region"() ({
          %run_scoped3A = tpu.sem_alloc : memref<!tpu.dma_semaphore, #tpu.memory_space<semaphore_mem>>
          %dma_start3A_92 = arith.constant 0 : i32
          %dma_start3A_93 = tpu.memref_slice %arg7[%add3A_72, %dma_start3A_92] : memref<21x96xi32, #tpu.memory_space<vmem>> -> memref<1x96xi32, #tpu.memory_space<vmem>>
          %dma_start3A_94 = tpu.memref_squeeze %dma_start3A_93 : memref<1x96xi32, #tpu.memory_space<vmem>> -> memref<96xi32, #tpu.memory_space<vmem>>
          %dma_start3A_95 = arith.constant 0 : i32
          %dma_start3A_96 = arith.constant 0 : i32
          %dma_start3A_97 = tpu.memref_slice %arg11[%dma_start3A_95, %dma_start3A_96] : memref<10240x128xf32, #tpu.memory_space<vmem_shared>> -> memref<10240x128xf32, #tpu.memory_space<vmem_shared>>
          tpu.enqueue_indirect_dma source(%arg9 : memref<96x128xf32, #tpu.memory_space<vmem>>) target(%dma_start3A_97 : memref<10240x128xf32, #tpu.memory_space<vmem_shared>>) offsets(%dma_start3A_94 : memref<96xi32, #tpu.memory_space<vmem>>) semaphore(%run_scoped3A : memref<!tpu.dma_semaphore, #tpu.memory_space<semaphore_mem>>) {add = true}
          %dma_wait3A_98 = arith.constant 0 : i32
          %dma_wait3A_99 = tpu.memref_slice %arg7[%add3A_72, %dma_wait3A_98] : memref<21x96xi32, #tpu.memory_space<vmem>> -> memref<1x96xi32, #tpu.memory_space<vmem>>
          %dma_wait3A_100 = tpu.memref_squeeze %dma_wait3A_99 : memref<1x96xi32, #tpu.memory_space<vmem>> -> memref<96xi32, #tpu.memory_space<vmem>>
          %dma_wait3A_101 = arith.constant 0 : i32
          %dma_wait3A_102 = arith.constant 0 : i32
          %dma_wait3A_103 = tpu.memref_slice %arg11[%dma_wait3A_101, %dma_wait3A_102] : memref<10240x128xf32, #tpu.memory_space<vmem_shared>> -> memref<10240x128xf32, #tpu.memory_space<vmem_shared>>
          tpu.wait_indirect_dma semaphore(%run_scoped3A : memref<!tpu.dma_semaphore, #tpu.memory_space<semaphore_mem>>) src(%arg9 : memref<96x128xf32, #tpu.memory_space<vmem>>) dst(%dma_wait3A_103 : memref<10240x128xf32, #tpu.memory_space<vmem_shared>>)
          tpu.yield
        }) : () -> ()
        %add3A_73 = arith.constant 2 : i32
        %add3A_74 = arith.addi %mul3A_38, %add3A_73 : i32
        %dma_wait3A_75 = arith.constant 0 : i32
        %dma_wait3A_76 = tpu.memref_slice %arg6[%add3A_74, %dma_wait3A_75] : memref<21x96xi32, #tpu.memory_space<vmem>> -> memref<1x96xi32, #tpu.memory_space<vmem>>
        %dma_wait3A_77 = tpu.memref_squeeze %dma_wait3A_76 : memref<1x96xi32, #tpu.memory_space<vmem>> -> memref<96xi32, #tpu.memory_space<vmem>>
        %dma_wait3A_78 = arith.constant 0 : i32
        %dma_wait3A_79 = arith.constant 0 : i32
        %dma_wait3A_80 = tpu.memref_slice %arg2[%dma_wait3A_78, %dma_wait3A_79] : memref<10240x128xf32, #tpu.memory_space<hbm>> -> memref<10240x128xf32, #tpu.memory_space<hbm>>
        tpu.wait_indirect_dma semaphore(%arg14 : memref<!tpu.dma_semaphore, #tpu.memory_space<semaphore_mem>>) src(%dma_wait3A_80 : memref<10240x128xf32, #tpu.memory_space<hbm>>) dst(%arg10 : memref<96x128xf32, #tpu.memory_space<vmem>>)
        %add3A_81 = arith.constant 2 : i32
        %add3A_82 = arith.addi %mul3A_38, %add3A_81 : i32
        %add3A_83 = arith.constant 2 : i32
        %add3A_84 = arith.addi %add3A_82, %add3A_83 : i32
        %lt3A_85 = arith.constant 21 : i32
        %lt3A_86 = arith.cmpi slt, %add3A_84, %lt3A_85 : i32
        %convert_element_type3A_87 = arith.extui %lt3A_86 : i1 to i32
        %cond3A_88 = arith.constant 0 : i32
        %cond3A_89 = arith.cmpi ne, %convert_element_type3A_87, %cond3A_88 : i32
        scf.if %cond3A_89 {
          %add3A_92 = arith.constant 2 : i32
          %add3A_93 = arith.addi %mul3A_38, %add3A_92 : i32
          %add3A_94 = arith.constant 2 : i32
          %add3A_95 = arith.addi %add3A_93, %add3A_94 : i32
          %dma_start3A_96 = arith.constant 0 : i32
          %dma_start3A_97 = tpu.memref_slice %arg6[%add3A_95, %dma_start3A_96] : memref<21x96xi32, #tpu.memory_space<vmem>> -> memref<1x96xi32, #tpu.memory_space<vmem>>
          %dma_start3A_98 = tpu.memref_squeeze %dma_start3A_97 : memref<1x96xi32, #tpu.memory_space<vmem>> -> memref<96xi32, #tpu.memory_space<vmem>>
          %dma_start3A_99 = arith.constant 0 : i32
          %dma_start3A_100 = arith.constant 0 : i32
          %dma_start3A_101 = tpu.memref_slice %arg2[%dma_start3A_99, %dma_start3A_100] : memref<10240x128xf32, #tpu.memory_space<hbm>> -> memref<10240x128xf32, #tpu.memory_space<hbm>>
          tpu.enqueue_indirect_dma source(%dma_start3A_101 : memref<10240x128xf32, #tpu.memory_space<hbm>>) target(%arg9 : memref<96x128xf32, #tpu.memory_space<vmem>>) offsets(%dma_start3A_98 : memref<96xi32, #tpu.memory_space<vmem>>) semaphore(%arg13 : memref<!tpu.dma_semaphore, #tpu.memory_space<semaphore_mem>>)
        } else {
        }
        %add3A_90 = arith.constant 2 : i32
        %add3A_91 = arith.addi %mul3A_38, %add3A_90 : i32
        "tpu.region"() ({
          %run_scoped3A = tpu.sem_alloc : memref<!tpu.dma_semaphore, #tpu.memory_space<semaphore_mem>>
          %dma_start3A_92 = arith.constant 0 : i32
          %dma_start3A_93 = tpu.memref_slice %arg7[%add3A_91, %dma_start3A_92] : memref<21x96xi32, #tpu.memory_space<vmem>> -> memref<1x96xi32, #tpu.memory_space<vmem>>
          %dma_start3A_94 = tpu.memref_squeeze %dma_start3A_93 : memref<1x96xi32, #tpu.memory_space<vmem>> -> memref<96xi32, #tpu.memory_space<vmem>>
          %dma_start3A_95 = arith.constant 0 : i32
          %dma_start3A_96 = arith.constant 0 : i32
          %dma_start3A_97 = tpu.memref_slice %arg11[%dma_start3A_95, %dma_start3A_96] : memref<10240x128xf32, #tpu.memory_space<vmem_shared>> -> memref<10240x128xf32, #tpu.memory_space<vmem_shared>>
          tpu.enqueue_indirect_dma source(%arg10 : memref<96x128xf32, #tpu.memory_space<vmem>>) target(%dma_start3A_97 : memref<10240x128xf32, #tpu.memory_space<vmem_shared>>) offsets(%dma_start3A_94 : memref<96xi32, #tpu.memory_space<vmem>>) semaphore(%run_scoped3A : memref<!tpu.dma_semaphore, #tpu.memory_space<semaphore_mem>>) {add = true}
          %dma_wait3A_98 = arith.constant 0 : i32
          %dma_wait3A_99 = tpu.memref_slice %arg7[%add3A_91, %dma_wait3A_98] : memref<21x96xi32, #tpu.memory_space<vmem>> -> memref<1x96xi32, #tpu.memory_space<vmem>>
          %dma_wait3A_100 = tpu.memref_squeeze %dma_wait3A_99 : memref<1x96xi32, #tpu.memory_space<vmem>> -> memref<96xi32, #tpu.memory_space<vmem>>
          %dma_wait3A_101 = arith.constant 0 : i32
          %dma_wait3A_102 = arith.constant 0 : i32
          %dma_wait3A_103 = tpu.memref_slice %arg11[%dma_wait3A_101, %dma_wait3A_102] : memref<10240x128xf32, #tpu.memory_space<vmem_shared>> -> memref<10240x128xf32, #tpu.memory_space<vmem_shared>>
          tpu.wait_indirect_dma semaphore(%run_scoped3A : memref<!tpu.dma_semaphore, #tpu.memory_space<semaphore_mem>>) src(%arg10 : memref<96x128xf32, #tpu.memory_space<vmem>>) dst(%dma_wait3A_103 : memref<10240x128xf32, #tpu.memory_space<vmem_shared>>)
          tpu.yield
        }) : () -> ()
      }
      %scan3A_35 = arith.constant 7 : i32
    }
    %scan3A_8 = arith.constant 5 : i32
    %barrier3A_9 = arith.constant 0 : index
    tpu.barrier barrier_id(%barrier3A_9)
    %mul3A_10 = arith.constant 640 : i32
    %mul3A_11 = arith.muli %arg1, %mul3A_10 : i32
    %mul3A_12 = arith.constant 10240 : i32
    %mul3A_13 = arith.muli %arg0, %mul3A_12 : i32
    %mul3A_14 = arith.constant 640 : i32
    %mul3A_15 = arith.muli %arg1, %mul3A_14 : i32
    %add3A_16 = arith.addi %mul3A_13, %mul3A_15 : i32
    "tpu.region"() ({
      %run_scoped3A = tpu.sem_alloc : memref<!tpu.dma_semaphore, #tpu.memory_space<semaphore_mem>>
      %dma_start3A = arith.constant 0 : i32
      %dma_start3A_17 = tpu.memref_slice %arg5[%add3A_16, %dma_start3A] : memref<20480x128xf32, #tpu.memory_space<hbm>> -> memref<640x128xf32, #tpu.memory_space<hbm>>
      %dma_start3A_18 = arith.constant 0 : i32
      %dma_start3A_19 = tpu.memref_slice %arg11[%mul3A_11, %dma_start3A_18] : memref<10240x128xf32, #tpu.memory_space<vmem_shared>> -> memref<640x128xf32, #tpu.memory_space<vmem_shared>>
      tpu.enqueue_dma source(%dma_start3A_19 : memref<640x128xf32, #tpu.memory_space<vmem_shared>>) target(%dma_start3A_17 : memref<640x128xf32, #tpu.memory_space<hbm>>) target_semaphore(%run_scoped3A : memref<!tpu.dma_semaphore, #tpu.memory_space<semaphore_mem>>)
      %dma_wait3A = arith.constant 0 : i32
      %dma_wait3A_20 = tpu.memref_slice %arg5[%add3A_16, %dma_wait3A] : memref<20480x128xf32, #tpu.memory_space<hbm>> -> memref<640x128xf32, #tpu.memory_space<hbm>>
      %dma_wait3A_21 = arith.constant 0 : i32
      %dma_wait3A_22 = tpu.memref_slice %arg11[%mul3A_11, %dma_wait3A_21] : memref<10240x128xf32, #tpu.memory_space<vmem_shared>> -> memref<640x128xf32, #tpu.memory_space<vmem_shared>>
      tpu.wait_dma2 semaphore(%run_scoped3A : memref<!tpu.dma_semaphore, #tpu.memory_space<semaphore_mem>>) src(%dma_wait3A_22 : memref<640x128xf32, #tpu.memory_space<vmem_shared>>) dst(%dma_wait3A_20 : memref<640x128xf32, #tpu.memory_space<hbm>>)
      tpu.yield
    }) : () -> ()
    return
  }
}

#map = affine_map<(d0, d1) -> (0, 0, 0)>
#map1 = affine_map<(d0, d1) -> (0, 0)>
module attributes {stable_mosaic.version = 14 : i64} {
  func.func @_deg_body(%arg0: i32, %arg1: i32, %arg2: memref<16x160x128xi32, #tpu.memory_space<hbm>>, %arg3: memref<2x10240xf32, #tpu.memory_space<hbm>>, %arg4: memref<160x128xi32, #tpu.memory_space<vmem>>, %arg5: memref<10240xf32, #tpu.memory_space<vmem>>, %arg6: memref<10240xf32, #tpu.memory_space<vmem_shared>>) attributes {dimension_semantics = [#tpu.dimension_semantics<core_parallel>, #tpu.dimension_semantics<subcore_parallel>], iteration_bounds = array<i64: 2, 16>, scalar_prefetch = 0 : i64, scratch_operands = 3 : i64, tpu.core_type = #tpu.core_type<sc_vector_subcore>, window_params = [{transform_indices = #map}, {transform_indices = #map1}]} {
    %scan3A = arith.constant 0 : i32
    %scan3A_0 = arith.constant 0 : i32
    %scan3A_1 = arith.constant 640 : i32
    %scan3A_2 = arith.addi %scan3A_0, %scan3A_1 : i32
    %scan3A_3 = arith.constant 1 : i32
    scf.for %scan3A_24 = %scan3A_0 to %scan3A_2 step %scan3A_3  : i32 {
      %broadcast_in_dim3A = arith.constant 1.000000e+00 : f32
      %broadcast_in_dim3A_25 = vector.broadcast %broadcast_in_dim3A : f32 to vector<16xf32>
      %mul3A_26 = arith.constant 16 : i32
      %mul3A_27 = arith.muli %scan3A_24, %mul3A_26 : i32
      %swap3A = arith.index_cast %mul3A_27 : i32 to index
      %swap3A_28 = tpu.vector_load %arg5[%swap3A] {strides = array<i32>} : memref<10240xf32, #tpu.memory_space<vmem>>, vector<16xf32>,
      %swap3A_29 = vector.shape_cast %swap3A_28 : vector<16xf32> to vector<16xf32>
      %swap3A_30 = vector.shape_cast %broadcast_in_dim3A_25 : vector<16xf32> to vector<16xf32>
      tpu.vector_store %arg5[%swap3A], %swap3A_30 {strides = array<i32>} : memref<10240xf32, #tpu.memory_space<vmem>>, vector<16xf32>,
    }
    %scan3A_4 = arith.constant 640 : i32
    "tpu.region"() ({
      %run_scoped3A = tpu.sem_alloc : memref<!tpu.dma_semaphore, #tpu.memory_space<semaphore_mem>>
      %dma_start3A = arith.constant 0 : i32
      %dma_start3A_24 = arith.constant 0 : i32
      %dma_start3A_25 = tpu.memref_slice %arg2[%arg1, %dma_start3A, %dma_start3A_24] : memref<16x160x128xi32, #tpu.memory_space<hbm>> -> memref<1x160x128xi32, #tpu.memory_space<hbm>>
      %dma_start3A_26 = tpu.memref_squeeze %dma_start3A_25 : memref<1x160x128xi32, #tpu.memory_space<hbm>> -> memref<160x128xi32, #tpu.memory_space<hbm>>
      %dma_start3A_27 = arith.constant 0 : i32
      %dma_start3A_28 = arith.constant 0 : i32
      %dma_start3A_29 = tpu.memref_slice %arg2[%arg1, %dma_start3A_27, %dma_start3A_28] : memref<16x160x128xi32, #tpu.memory_space<hbm>> -> memref<1x160x128xi32, #tpu.memory_space<hbm>>
      %dma_start3A_30 = tpu.memref_squeeze %dma_start3A_29 : memref<1x160x128xi32, #tpu.memory_space<hbm>> -> memref<160x128xi32, #tpu.memory_space<hbm>>
      tpu.enqueue_dma source(%dma_start3A_30 : memref<160x128xi32, #tpu.memory_space<hbm>>) target(%arg4 : memref<160x128xi32, #tpu.memory_space<vmem>>) target_semaphore(%run_scoped3A : memref<!tpu.dma_semaphore, #tpu.memory_space<semaphore_mem>>)
      %dma_wait3A = arith.constant 0 : i32
      %dma_wait3A_31 = arith.constant 0 : i32
      %dma_wait3A_32 = tpu.memref_slice %arg2[%arg1, %dma_wait3A, %dma_wait3A_31] : memref<16x160x128xi32, #tpu.memory_space<hbm>> -> memref<1x160x128xi32, #tpu.memory_space<hbm>>
      %dma_wait3A_33 = tpu.memref_squeeze %dma_wait3A_32 : memref<1x160x128xi32, #tpu.memory_space<hbm>> -> memref<160x128xi32, #tpu.memory_space<hbm>>
      %dma_wait3A_34 = arith.constant 0 : i32
      %dma_wait3A_35 = arith.constant 0 : i32
      %dma_wait3A_36 = tpu.memref_slice %arg2[%arg1, %dma_wait3A_34, %dma_wait3A_35] : memref<16x160x128xi32, #tpu.memory_space<hbm>> -> memref<1x160x128xi32, #tpu.memory_space<hbm>>
      %dma_wait3A_37 = tpu.memref_squeeze %dma_wait3A_36 : memref<1x160x128xi32, #tpu.memory_space<hbm>> -> memref<160x128xi32, #tpu.memory_space<hbm>>
      tpu.wait_dma2 semaphore(%run_scoped3A : memref<!tpu.dma_semaphore, #tpu.memory_space<semaphore_mem>>) src(%dma_wait3A_37 : memref<160x128xi32, #tpu.memory_space<hbm>>) dst(%arg4 : memref<160x128xi32, #tpu.memory_space<vmem>>)
      tpu.yield
    }) : () -> ()
    %eq3A = arith.constant 0 : i32
    %eq3A_5 = arith.cmpi eq, %arg1, %eq3A : i32
    %convert_element_type3A = arith.extui %eq3A_5 : i1 to i32
    %cond3A = arith.constant 0 : i32
    %cond3A_6 = arith.cmpi ne, %convert_element_type3A, %cond3A : i32
    scf.if %cond3A_6 {
      "tpu.region"() ({
        %run_scoped3A = tpu.sem_alloc : memref<!tpu.dma_semaphore, #tpu.memory_space<semaphore_mem>>
        tpu.enqueue_dma source(%arg5 : memref<10240xf32, #tpu.memory_space<vmem>>) target(%arg6 : memref<10240xf32, #tpu.memory_space<vmem_shared>>) target_semaphore(%run_scoped3A : memref<!tpu.dma_semaphore, #tpu.memory_space<semaphore_mem>>)
        tpu.wait_dma2 semaphore(%run_scoped3A : memref<!tpu.dma_semaphore, #tpu.memory_space<semaphore_mem>>) src(%arg5 : memref<10240xf32, #tpu.memory_space<vmem>>) dst(%arg6 : memref<10240xf32, #tpu.memory_space<vmem_shared>>)
        tpu.yield
      }) : () -> ()
    } else {
    }
    %barrier3A = arith.constant 0 : index
    tpu.barrier barrier_id(%barrier3A)
    %mul3A = arith.constant 80 : i32
    %mul3A_7 = arith.muli %mul3A, %arg0 : i32
    %add3A = arith.constant 1 : i32
    %add3A_8 = arith.addi %arg0, %add3A : i32
    %mul3A_9 = arith.constant 80 : i32
    %mul3A_10 = arith.muli %mul3A_9, %add3A_8 : i32
    %while3A = arith.constant 0 : i32
    %while3A_11 = arith.subi %mul3A_10, %mul3A_7 : i32
    %while3A_12 = arith.addi %mul3A_7, %while3A_11 : i32
    %while3A_13 = arith.constant 1 : i32
    %while3A_14 = arith.divsi %while3A_11, %while3A_13 : i32
    %while3A_15 = arith.muli %while3A_14, %while3A_13 : i32
    %while3A_16 = arith.addi %mul3A_7, %while3A_15 : i32
    %while3A_17 = arith.constant 1 : i32
    scf.for %while3A_24 = %mul3A_7 to %while3A_16 step %while3A_17  : i32 {
      "tpu.region"() ({
        %run_scoped3A = tpu.sem_alloc : memref<!tpu.dma_semaphore, #tpu.memory_space<semaphore_mem>>
        %dma_start3A = arith.constant 0 : i32
        %dma_start3A_25 = tpu.memref_slice %arg5[%dma_start3A] : memref<10240xf32, #tpu.memory_space<vmem>> -> memref<128xf32, #tpu.memory_space<vmem>>
        %dma_start3A_26 = arith.constant 0 : i32
        %dma_start3A_27 = tpu.memref_slice %arg4[%while3A_24, %dma_start3A_26] : memref<160x128xi32, #tpu.memory_space<vmem>> -> memref<1x128xi32, #tpu.memory_space<vmem>>
        %dma_start3A_28 = tpu.memref_squeeze %dma_start3A_27 : memref<1x128xi32, #tpu.memory_space<vmem>> -> memref<128xi32, #tpu.memory_space<vmem>>
        %dma_start3A_29 = arith.constant 0 : i32
        %dma_start3A_30 = tpu.memref_slice %arg6[%dma_start3A_29] : memref<10240xf32, #tpu.memory_space<vmem_shared>> -> memref<10240xf32, #tpu.memory_space<vmem_shared>>
        tpu.enqueue_indirect_dma source(%dma_start3A_25 : memref<128xf32, #tpu.memory_space<vmem>>) target(%dma_start3A_30 : memref<10240xf32, #tpu.memory_space<vmem_shared>>) offsets(%dma_start3A_28 : memref<128xi32, #tpu.memory_space<vmem>>) semaphore(%run_scoped3A : memref<!tpu.dma_semaphore, #tpu.memory_space<semaphore_mem>>) {add = true}
        %dma_wait3A = arith.constant 0 : i32
        %dma_wait3A_31 = tpu.memref_slice %arg5[%dma_wait3A] : memref<10240xf32, #tpu.memory_space<vmem>> -> memref<128xf32, #tpu.memory_space<vmem>>
        %dma_wait3A_32 = arith.constant 0 : i32
        %dma_wait3A_33 = tpu.memref_slice %arg4[%while3A_24, %dma_wait3A_32] : memref<160x128xi32, #tpu.memory_space<vmem>> -> memref<1x128xi32, #tpu.memory_space<vmem>>
        %dma_wait3A_34 = tpu.memref_squeeze %dma_wait3A_33 : memref<1x128xi32, #tpu.memory_space<vmem>> -> memref<128xi32, #tpu.memory_space<vmem>>
        %dma_wait3A_35 = arith.constant 0 : i32
        %dma_wait3A_36 = tpu.memref_slice %arg6[%dma_wait3A_35] : memref<10240xf32, #tpu.memory_space<vmem_shared>> -> memref<10240xf32, #tpu.memory_space<vmem_shared>>
        tpu.wait_indirect_dma semaphore(%run_scoped3A : memref<!tpu.dma_semaphore, #tpu.memory_space<semaphore_mem>>) src(%dma_wait3A_31 : memref<128xf32, #tpu.memory_space<vmem>>) dst(%dma_wait3A_36 : memref<10240xf32, #tpu.memory_space<vmem_shared>>)
        tpu.yield
      }) : () -> ()
    }
    %while3A_18 = arith.constant 1 : i32
    scf.for %while3A_24 = %while3A_16 to %while3A_12 step %while3A_18  : i32 {
      "tpu.region"() ({
        %run_scoped3A = tpu.sem_alloc : memref<!tpu.dma_semaphore, #tpu.memory_space<semaphore_mem>>
        %dma_start3A = arith.constant 0 : i32
        %dma_start3A_25 = tpu.memref_slice %arg5[%dma_start3A] : memref<10240xf32, #tpu.memory_space<vmem>> -> memref<128xf32, #tpu.memory_space<vmem>>
        %dma_start3A_26 = arith.constant 0 : i32
        %dma_start3A_27 = tpu.memref_slice %arg4[%while3A_24, %dma_start3A_26] : memref<160x128xi32, #tpu.memory_space<vmem>> -> memref<1x128xi32, #tpu.memory_space<vmem>>
        %dma_start3A_28 = tpu.memref_squeeze %dma_start3A_27 : memref<1x128xi32, #tpu.memory_space<vmem>> -> memref<128xi32, #tpu.memory_space<vmem>>
        %dma_start3A_29 = arith.constant 0 : i32
        %dma_start3A_30 = tpu.memref_slice %arg6[%dma_start3A_29] : memref<10240xf32, #tpu.memory_space<vmem_shared>> -> memref<10240xf32, #tpu.memory_space<vmem_shared>>
        tpu.enqueue_indirect_dma source(%dma_start3A_25 : memref<128xf32, #tpu.memory_space<vmem>>) target(%dma_start3A_30 : memref<10240xf32, #tpu.memory_space<vmem_shared>>) offsets(%dma_start3A_28 : memref<128xi32, #tpu.memory_space<vmem>>) semaphore(%run_scoped3A : memref<!tpu.dma_semaphore, #tpu.memory_space<semaphore_mem>>) {add = true}
        %dma_wait3A = arith.constant 0 : i32
        %dma_wait3A_31 = tpu.memref_slice %arg5[%dma_wait3A] : memref<10240xf32, #tpu.memory_space<vmem>> -> memref<128xf32, #tpu.memory_space<vmem>>
        %dma_wait3A_32 = arith.constant 0 : i32
        %dma_wait3A_33 = tpu.memref_slice %arg4[%while3A_24, %dma_wait3A_32] : memref<160x128xi32, #tpu.memory_space<vmem>> -> memref<1x128xi32, #tpu.memory_space<vmem>>
        %dma_wait3A_34 = tpu.memref_squeeze %dma_wait3A_33 : memref<1x128xi32, #tpu.memory_space<vmem>> -> memref<128xi32, #tpu.memory_space<vmem>>
        %dma_wait3A_35 = arith.constant 0 : i32
        %dma_wait3A_36 = tpu.memref_slice %arg6[%dma_wait3A_35] : memref<10240xf32, #tpu.memory_space<vmem_shared>> -> memref<10240xf32, #tpu.memory_space<vmem_shared>>
        tpu.wait_indirect_dma semaphore(%run_scoped3A : memref<!tpu.dma_semaphore, #tpu.memory_space<semaphore_mem>>) src(%dma_wait3A_31 : memref<128xf32, #tpu.memory_space<vmem>>) dst(%dma_wait3A_36 : memref<10240xf32, #tpu.memory_space<vmem_shared>>)
        tpu.yield
      }) : () -> ()
    }
    %barrier3A_19 = arith.constant 0 : index
    tpu.barrier barrier_id(%barrier3A_19)
    %mul3A_20 = arith.constant 640 : i32
    %mul3A_21 = arith.muli %arg1, %mul3A_20 : i32
    %mul3A_22 = arith.constant 640 : i32
    %mul3A_23 = arith.muli %arg1, %mul3A_22 : i32
    "tpu.region"() ({
      %run_scoped3A = tpu.sem_alloc : memref<!tpu.dma_semaphore, #tpu.memory_space<semaphore_mem>>
      %dma_start3A = tpu.memref_slice %arg3[%arg0, %mul3A_23] : memref<2x10240xf32, #tpu.memory_space<hbm>> -> memref<1x640xf32, #tpu.memory_space<hbm>>
      %dma_start3A_24 = tpu.memref_squeeze %dma_start3A : memref<1x640xf32, #tpu.memory_space<hbm>> -> memref<640xf32, #tpu.memory_space<hbm>>
      %dma_start3A_25 = tpu.memref_slice %arg6[%mul3A_21] : memref<10240xf32, #tpu.memory_space<vmem_shared>> -> memref<640xf32, #tpu.memory_space<vmem_shared>>
      tpu.enqueue_dma source(%dma_start3A_25 : memref<640xf32, #tpu.memory_space<vmem_shared>>) target(%dma_start3A_24 : memref<640xf32, #tpu.memory_space<hbm>>) target_semaphore(%run_scoped3A : memref<!tpu.dma_semaphore, #tpu.memory_space<semaphore_mem>>)
      %dma_wait3A = tpu.memref_slice %arg3[%arg0, %mul3A_23] : memref<2x10240xf32, #tpu.memory_space<hbm>> -> memref<1x640xf32, #tpu.memory_space<hbm>>
      %dma_wait3A_26 = tpu.memref_squeeze %dma_wait3A : memref<1x640xf32, #tpu.memory_space<hbm>> -> memref<640xf32, #tpu.memory_space<hbm>>
      %dma_wait3A_27 = tpu.memref_slice %arg6[%mul3A_21] : memref<10240xf32, #tpu.memory_space<vmem_shared>> -> memref<640xf32, #tpu.memory_space<vmem_shared>>
      tpu.wait_dma2 semaphore(%run_scoped3A : memref<!tpu.dma_semaphore, #tpu.memory_space<semaphore_mem>>) src(%dma_wait3A_27 : memref<640xf32, #tpu.memory_space<vmem_shared>>) dst(%dma_wait3A_26 : memref<640xf32, #tpu.memory_space<hbm>>)
      tpu.yield
    }) : () -> ()
    return
  }
}

#map = affine_map<(d0, d1) -> (0, 0)>
#map1 = affine_map<(d0, d1) -> (0, 0, 0, 0, 0)>
module attributes {stable_mosaic.version = 14 : i64} {
  func.func @body_fn(%arg0: i32, %arg1: i32, %arg2: memref<20480x128xf32, #tpu.memory_space<hbm>>, %arg3: memref<2x16x5x42x96xi32, #tpu.memory_space<hbm>>, %arg4: memref<2x16x5x42x96xi32, #tpu.memory_space<hbm>>, %arg5: memref<20480x128xf32, #tpu.memory_space<hbm>>, %arg6: memref<42x96xi32, #tpu.memory_space<vmem>>, %arg7: memref<42x96xi32, #tpu.memory_space<vmem>>, %arg8: memref<96x128xf32, #tpu.memory_space<vmem>>, %arg9: memref<96x128xf32, #tpu.memory_space<vmem>>, %arg10: memref<96x128xf32, #tpu.memory_space<vmem>>, %arg11: memref<10240x128xf32, #tpu.memory_space<vmem_shared>>, %arg12: memref<!tpu.dma_semaphore, #tpu.memory_space<semaphore_mem>>, %arg13: memref<!tpu.dma_semaphore, #tpu.memory_space<semaphore_mem>>, %arg14: memref<!tpu.dma_semaphore, #tpu.memory_space<semaphore_mem>>) attributes {dimension_semantics = [#tpu.dimension_semantics<core_parallel>, #tpu.dimension_semantics<subcore_parallel>], iteration_bounds = array<i64: 2, 16>, scalar_prefetch = 0 : i64, scratch_operands = 9 : i64, tpu.core_type = #tpu.core_type<sc_vector_subcore>, window_params = [{transform_indices = #map}, {transform_indices = #map1}, {transform_indices = #map1}, {transform_indices = #map}]} {
    %mul3A = arith.constant 10240 : i32
    %mul3A_0 = arith.muli %arg0, %mul3A : i32
    %mul3A_1 = arith.constant 640 : i32
    %mul3A_2 = arith.muli %arg1, %mul3A_1 : i32
    %add3A = arith.addi %mul3A_0, %mul3A_2 : i32
    %mul3A_3 = arith.constant 640 : i32
    %mul3A_4 = arith.muli %arg1, %mul3A_3 : i32
    "tpu.region"() ({
      %run_scoped3A = tpu.sem_alloc : memref<!tpu.dma_semaphore, #tpu.memory_space<semaphore_mem>>
      %dma_start3A = arith.constant 0 : i32
      %dma_start3A_18 = tpu.memref_slice %arg11[%mul3A_4, %dma_start3A] : memref<10240x128xf32, #tpu.memory_space<vmem_shared>> -> memref<640x128xf32, #tpu.memory_space<vmem_shared>>
      %dma_start3A_19 = arith.constant 0 : i32
      %dma_start3A_20 = tpu.memref_slice %arg2[%add3A, %dma_start3A_19] : memref<20480x128xf32, #tpu.memory_space<hbm>> -> memref<640x128xf32, #tpu.memory_space<hbm>>
      tpu.enqueue_dma source(%dma_start3A_20 : memref<640x128xf32, #tpu.memory_space<hbm>>) target(%dma_start3A_18 : memref<640x128xf32, #tpu.memory_space<vmem_shared>>) target_semaphore(%run_scoped3A : memref<!tpu.dma_semaphore, #tpu.memory_space<semaphore_mem>>)
      %dma_wait3A = arith.constant 0 : i32
      %dma_wait3A_21 = tpu.memref_slice %arg11[%mul3A_4, %dma_wait3A] : memref<10240x128xf32, #tpu.memory_space<vmem_shared>> -> memref<640x128xf32, #tpu.memory_space<vmem_shared>>
      %dma_wait3A_22 = arith.constant 0 : i32
      %dma_wait3A_23 = tpu.memref_slice %arg2[%add3A, %dma_wait3A_22] : memref<20480x128xf32, #tpu.memory_space<hbm>> -> memref<640x128xf32, #tpu.memory_space<hbm>>
      tpu.wait_dma2 semaphore(%run_scoped3A : memref<!tpu.dma_semaphore, #tpu.memory_space<semaphore_mem>>) src(%dma_wait3A_23 : memref<640x128xf32, #tpu.memory_space<hbm>>) dst(%dma_wait3A_21 : memref<640x128xf32, #tpu.memory_space<vmem_shared>>)
      tpu.yield
    }) : () -> ()
    %barrier3A = arith.constant 0 : index
    tpu.barrier barrier_id(%barrier3A)
    %scan3A = arith.constant 0 : i32
    %scan3A_5 = arith.constant 0 : i32
    %scan3A_6 = arith.constant 5 : i32
    %scan3A_7 = arith.addi %scan3A_5, %scan3A_6 : i32
    %scan3A_8 = arith.constant 1 : i32
    scf.for %scan3A_18 = %scan3A_5 to %scan3A_7 step %scan3A_8  : i32 {
      "tpu.region"() ({
        %run_scoped3A = tpu.sem_alloc : memref<!tpu.dma_semaphore, #tpu.memory_space<semaphore_mem>>
        %dma_start3A_37 = arith.constant 0 : i32
        %dma_start3A_38 = arith.constant 0 : i32
        %dma_start3A_39 = tpu.memref_slice %arg3[%arg0, %arg1, %scan3A_18, %dma_start3A_37, %dma_start3A_38] : memref<2x16x5x42x96xi32, #tpu.memory_space<hbm>> -> memref<1x1x1x42x96xi32, #tpu.memory_space<hbm>>
        %dma_start3A_40 = tpu.memref_squeeze %dma_start3A_39 : memref<1x1x1x42x96xi32, #tpu.memory_space<hbm>> -> memref<42x96xi32, #tpu.memory_space<hbm>>
        %dma_start3A_41 = arith.constant 0 : i32
        %dma_start3A_42 = arith.constant 0 : i32
        %dma_start3A_43 = tpu.memref_slice %arg3[%arg0, %arg1, %scan3A_18, %dma_start3A_41, %dma_start3A_42] : memref<2x16x5x42x96xi32, #tpu.memory_space<hbm>> -> memref<1x1x1x42x96xi32, #tpu.memory_space<hbm>>
        %dma_start3A_44 = tpu.memref_squeeze %dma_start3A_43 : memref<1x1x1x42x96xi32, #tpu.memory_space<hbm>> -> memref<42x96xi32, #tpu.memory_space<hbm>>
        tpu.enqueue_dma source(%dma_start3A_44 : memref<42x96xi32, #tpu.memory_space<hbm>>) target(%arg6 : memref<42x96xi32, #tpu.memory_space<vmem>>) target_semaphore(%run_scoped3A : memref<!tpu.dma_semaphore, #tpu.memory_space<semaphore_mem>>)
        %dma_wait3A = arith.constant 0 : i32
        %dma_wait3A_45 = arith.constant 0 : i32
        %dma_wait3A_46 = tpu.memref_slice %arg3[%arg0, %arg1, %scan3A_18, %dma_wait3A, %dma_wait3A_45] : memref<2x16x5x42x96xi32, #tpu.memory_space<hbm>> -> memref<1x1x1x42x96xi32, #tpu.memory_space<hbm>>
        %dma_wait3A_47 = tpu.memref_squeeze %dma_wait3A_46 : memref<1x1x1x42x96xi32, #tpu.memory_space<hbm>> -> memref<42x96xi32, #tpu.memory_space<hbm>>
        %dma_wait3A_48 = arith.constant 0 : i32
        %dma_wait3A_49 = arith.constant 0 : i32
        %dma_wait3A_50 = tpu.memref_slice %arg3[%arg0, %arg1, %scan3A_18, %dma_wait3A_48, %dma_wait3A_49] : memref<2x16x5x42x96xi32, #tpu.memory_space<hbm>> -> memref<1x1x1x42x96xi32, #tpu.memory_space<hbm>>
        %dma_wait3A_51 = tpu.memref_squeeze %dma_wait3A_50 : memref<1x1x1x42x96xi32, #tpu.memory_space<hbm>> -> memref<42x96xi32, #tpu.memory_space<hbm>>
        tpu.wait_dma2 semaphore(%run_scoped3A : memref<!tpu.dma_semaphore, #tpu.memory_space<semaphore_mem>>) src(%dma_wait3A_51 : memref<42x96xi32, #tpu.memory_space<hbm>>) dst(%arg6 : memref<42x96xi32, #tpu.memory_space<vmem>>)
        tpu.yield
      }) : () -> ()
      "tpu.region"() ({
        %run_scoped3A = tpu.sem_alloc : memref<!tpu.dma_semaphore, #tpu.memory_space<semaphore_mem>>
        %dma_start3A_37 = arith.constant 0 : i32
        %dma_start3A_38 = arith.constant 0 : i32
        %dma_start3A_39 = tpu.memref_slice %arg4[%arg0, %arg1, %scan3A_18, %dma_start3A_37, %dma_start3A_38] : memref<2x16x5x42x96xi32, #tpu.memory_space<hbm>> -> memref<1x1x1x42x96xi32, #tpu.memory_space<hbm>>
        %dma_start3A_40 = tpu.memref_squeeze %dma_start3A_39 : memref<1x1x1x42x96xi32, #tpu.memory_space<hbm>> -> memref<42x96xi32, #tpu.memory_space<hbm>>
        %dma_start3A_41 = arith.constant 0 : i32
        %dma_start3A_42 = arith.constant 0 : i32
        %dma_start3A_43 = tpu.memref_slice %arg4[%arg0, %arg1, %scan3A_18, %dma_start3A_41, %dma_start3A_42] : memref<2x16x5x42x96xi32, #tpu.memory_space<hbm>> -> memref<1x1x1x42x96xi32, #tpu.memory_space<hbm>>
        %dma_start3A_44 = tpu.memref_squeeze %dma_start3A_43 : memref<1x1x1x42x96xi32, #tpu.memory_space<hbm>> -> memref<42x96xi32, #tpu.memory_space<hbm>>
        tpu.enqueue_dma source(%dma_start3A_44 : memref<42x96xi32, #tpu.memory_space<hbm>>) target(%arg7 : memref<42x96xi32, #tpu.memory_space<vmem>>) target_semaphore(%run_scoped3A : memref<!tpu.dma_semaphore, #tpu.memory_space<semaphore_mem>>)
        %dma_wait3A = arith.constant 0 : i32
        %dma_wait3A_45 = arith.constant 0 : i32
        %dma_wait3A_46 = tpu.memref_slice %arg4[%arg0, %arg1, %scan3A_18, %dma_wait3A, %dma_wait3A_45] : memref<2x16x5x42x96xi32, #tpu.memory_space<hbm>> -> memref<1x1x1x42x96xi32, #tpu.memory_space<hbm>>
        %dma_wait3A_47 = tpu.memref_squeeze %dma_wait3A_46 : memref<1x1x1x42x96xi32, #tpu.memory_space<hbm>> -> memref<42x96xi32, #tpu.memory_space<hbm>>
        %dma_wait3A_48 = arith.constant 0 : i32
        %dma_wait3A_49 = arith.constant 0 : i32
        %dma_wait3A_50 = tpu.memref_slice %arg4[%arg0, %arg1, %scan3A_18, %dma_wait3A_48, %dma_wait3A_49] : memref<2x16x5x42x96xi32, #tpu.memory_space<hbm>> -> memref<1x1x1x42x96xi32, #tpu.memory_space<hbm>>
        %dma_wait3A_51 = tpu.memref_squeeze %dma_wait3A_50 : memref<1x1x1x42x96xi32, #tpu.memory_space<hbm>> -> memref<42x96xi32, #tpu.memory_space<hbm>>
        tpu.wait_dma2 semaphore(%run_scoped3A : memref<!tpu.dma_semaphore, #tpu.memory_space<semaphore_mem>>) src(%dma_wait3A_51 : memref<42x96xi32, #tpu.memory_space<hbm>>) dst(%arg7 : memref<42x96xi32, #tpu.memory_space<vmem>>)
        tpu.yield
      }) : () -> ()
      %dma_start3A = arith.constant 0 : i32
      %dma_start3A_19 = arith.constant 0 : i32
      %dma_start3A_20 = tpu.memref_slice %arg6[%dma_start3A, %dma_start3A_19] : memref<42x96xi32, #tpu.memory_space<vmem>> -> memref<1x96xi32, #tpu.memory_space<vmem>>
      %dma_start3A_21 = tpu.memref_squeeze %dma_start3A_20 : memref<1x96xi32, #tpu.memory_space<vmem>> -> memref<96xi32, #tpu.memory_space<vmem>>
      %dma_start3A_22 = arith.constant 0 : i32
      %dma_start3A_23 = arith.constant 0 : i32
      %dma_start3A_24 = tpu.memref_slice %arg2[%dma_start3A_22, %dma_start3A_23] : memref<20480x128xf32, #tpu.memory_space<hbm>> -> memref<20480x128xf32, #tpu.memory_space<hbm>>
      tpu.enqueue_indirect_dma source(%dma_start3A_24 : memref<20480x128xf32, #tpu.memory_space<hbm>>) target(%arg8 : memref<96x128xf32, #tpu.memory_space<vmem>>) offsets(%dma_start3A_21 : memref<96xi32, #tpu.memory_space<vmem>>) semaphore(%arg12 : memref<!tpu.dma_semaphore, #tpu.memory_space<semaphore_mem>>)
      %dma_start3A_25 = arith.constant 1 : i32
      %dma_start3A_26 = arith.constant 0 : i32
      %dma_start3A_27 = tpu.memref_slice %arg6[%dma_start3A_25, %dma_start3A_26] : memref<42x96xi32, #tpu.memory_space<vmem>> -> memref<1x96xi32, #tpu.memory_space<vmem>>
      %dma_start3A_28 = tpu.memref_squeeze %dma_start3A_27 : memref<1x96xi32, #tpu.memory_space<vmem>> -> memref<96xi32, #tpu.memory_space<vmem>>
      %dma_start3A_29 = arith.constant 0 : i32
      %dma_start3A_30 = arith.constant 0 : i32
      %dma_start3A_31 = tpu.memref_slice %arg2[%dma_start3A_29, %dma_start3A_30] : memref<20480x128xf32, #tpu.memory_space<hbm>> -> memref<20480x128xf32, #tpu.memory_space<hbm>>
      tpu.enqueue_indirect_dma source(%dma_start3A_31 : memref<20480x128xf32, #tpu.memory_space<hbm>>) target(%arg9 : memref<96x128xf32, #tpu.memory_space<vmem>>) offsets(%dma_start3A_28 : memref<96xi32, #tpu.memory_space<vmem>>) semaphore(%arg13 : memref<!tpu.dma_semaphore, #tpu.memory_space<semaphore_mem>>)
      %scan3A_32 = arith.constant 0 : i32
      %scan3A_33 = arith.constant 14 : i32
      %scan3A_34 = arith.addi %scan3A_32, %scan3A_33 : i32
      %scan3A_35 = arith.constant 1 : i32
      scf.for %scan3A_37 = %scan3A_32 to %scan3A_34 step %scan3A_35  : i32 {
        %mul3A_38 = arith.constant 3 : i32
        %mul3A_39 = arith.muli %mul3A_38, %scan3A_37 : i32
        %add3A_40 = arith.constant 0 : i32
        %add3A_41 = arith.addi %mul3A_39, %add3A_40 : i32
        %dma_wait3A = arith.constant 0 : i32
        %dma_wait3A_42 = tpu.memref_slice %arg6[%add3A_41, %dma_wait3A] : memref<42x96xi32, #tpu.memory_space<vmem>> -> memref<1x96xi32, #tpu.memory_space<vmem>>
        %dma_wait3A_43 = tpu.memref_squeeze %dma_wait3A_42 : memref<1x96xi32, #tpu.memory_space<vmem>> -> memref<96xi32, #tpu.memory_space<vmem>>
        %dma_wait3A_44 = arith.constant 0 : i32
        %dma_wait3A_45 = arith.constant 0 : i32
        %dma_wait3A_46 = tpu.memref_slice %arg2[%dma_wait3A_44, %dma_wait3A_45] : memref<20480x128xf32, #tpu.memory_space<hbm>> -> memref<20480x128xf32, #tpu.memory_space<hbm>>
        tpu.wait_indirect_dma semaphore(%arg12 : memref<!tpu.dma_semaphore, #tpu.memory_space<semaphore_mem>>) src(%dma_wait3A_46 : memref<20480x128xf32, #tpu.memory_space<hbm>>) dst(%arg8 : memref<96x128xf32, #tpu.memory_space<vmem>>)
        %add3A_47 = arith.constant 0 : i32
        %add3A_48 = arith.addi %mul3A_39, %add3A_47 : i32
        %add3A_49 = arith.constant 2 : i32
        %add3A_50 = arith.addi %add3A_48, %add3A_49 : i32
        %lt3A = arith.constant 42 : i32
        %lt3A_51 = arith.cmpi slt, %add3A_50, %lt3A : i32
        %convert_element_type3A = arith.extui %lt3A_51 : i1 to i32
        %cond3A = arith.constant 0 : i32
        %cond3A_52 = arith.cmpi ne, %convert_element_type3A, %cond3A : i32
        scf.if %cond3A_52 {
          %add3A_93 = arith.constant 0 : i32
          %add3A_94 = arith.addi %mul3A_39, %add3A_93 : i32
          %add3A_95 = arith.constant 2 : i32
          %add3A_96 = arith.addi %add3A_94, %add3A_95 : i32
          %dma_start3A_97 = arith.constant 0 : i32
          %dma_start3A_98 = tpu.memref_slice %arg6[%add3A_96, %dma_start3A_97] : memref<42x96xi32, #tpu.memory_space<vmem>> -> memref<1x96xi32, #tpu.memory_space<vmem>>
          %dma_start3A_99 = tpu.memref_squeeze %dma_start3A_98 : memref<1x96xi32, #tpu.memory_space<vmem>> -> memref<96xi32, #tpu.memory_space<vmem>>
          %dma_start3A_100 = arith.constant 0 : i32
          %dma_start3A_101 = arith.constant 0 : i32
          %dma_start3A_102 = tpu.memref_slice %arg2[%dma_start3A_100, %dma_start3A_101] : memref<20480x128xf32, #tpu.memory_space<hbm>> -> memref<20480x128xf32, #tpu.memory_space<hbm>>
          tpu.enqueue_indirect_dma source(%dma_start3A_102 : memref<20480x128xf32, #tpu.memory_space<hbm>>) target(%arg10 : memref<96x128xf32, #tpu.memory_space<vmem>>) offsets(%dma_start3A_99 : memref<96xi32, #tpu.memory_space<vmem>>) semaphore(%arg14 : memref<!tpu.dma_semaphore, #tpu.memory_space<semaphore_mem>>)
        } else {
        }
        %add3A_53 = arith.constant 0 : i32
        %add3A_54 = arith.addi %mul3A_39, %add3A_53 : i32
        "tpu.region"() ({
          %run_scoped3A = tpu.sem_alloc : memref<!tpu.dma_semaphore, #tpu.memory_space<semaphore_mem>>
          %dma_start3A_93 = arith.constant 0 : i32
          %dma_start3A_94 = tpu.memref_slice %arg7[%add3A_54, %dma_start3A_93] : memref<42x96xi32, #tpu.memory_space<vmem>> -> memref<1x96xi32, #tpu.memory_space<vmem>>
          %dma_start3A_95 = tpu.memref_squeeze %dma_start3A_94 : memref<1x96xi32, #tpu.memory_space<vmem>> -> memref<96xi32, #tpu.memory_space<vmem>>
          %dma_start3A_96 = arith.constant 0 : i32
          %dma_start3A_97 = arith.constant 0 : i32
          %dma_start3A_98 = tpu.memref_slice %arg11[%dma_start3A_96, %dma_start3A_97] : memref<10240x128xf32, #tpu.memory_space<vmem_shared>> -> memref<10240x128xf32, #tpu.memory_space<vmem_shared>>
          tpu.enqueue_indirect_dma source(%arg8 : memref<96x128xf32, #tpu.memory_space<vmem>>) target(%dma_start3A_98 : memref<10240x128xf32, #tpu.memory_space<vmem_shared>>) offsets(%dma_start3A_95 : memref<96xi32, #tpu.memory_space<vmem>>) semaphore(%run_scoped3A : memref<!tpu.dma_semaphore, #tpu.memory_space<semaphore_mem>>) {add = true}
          %dma_wait3A_99 = arith.constant 0 : i32
          %dma_wait3A_100 = tpu.memref_slice %arg7[%add3A_54, %dma_wait3A_99] : memref<42x96xi32, #tpu.memory_space<vmem>> -> memref<1x96xi32, #tpu.memory_space<vmem>>
          %dma_wait3A_101 = tpu.memref_squeeze %dma_wait3A_100 : memref<1x96xi32, #tpu.memory_space<vmem>> -> memref<96xi32, #tpu.memory_space<vmem>>
          %dma_wait3A_102 = arith.constant 0 : i32
          %dma_wait3A_103 = arith.constant 0 : i32
          %dma_wait3A_104 = tpu.memref_slice %arg11[%dma_wait3A_102, %dma_wait3A_103] : memref<10240x128xf32, #tpu.memory_space<vmem_shared>> -> memref<10240x128xf32, #tpu.memory_space<vmem_shared>>
          tpu.wait_indirect_dma semaphore(%run_scoped3A : memref<!tpu.dma_semaphore, #tpu.memory_space<semaphore_mem>>) src(%arg8 : memref<96x128xf32, #tpu.memory_space<vmem>>) dst(%dma_wait3A_104 : memref<10240x128xf32, #tpu.memory_space<vmem_shared>>)
          tpu.yield
        }) : () -> ()
        %add3A_55 = arith.constant 1 : i32
        %add3A_56 = arith.addi %mul3A_39, %add3A_55 : i32
        %dma_wait3A_57 = arith.constant 0 : i32
        %dma_wait3A_58 = tpu.memref_slice %arg6[%add3A_56, %dma_wait3A_57] : memref<42x96xi32, #tpu.memory_space<vmem>> -> memref<1x96xi32, #tpu.memory_space<vmem>>
        %dma_wait3A_59 = tpu.memref_squeeze %dma_wait3A_58 : memref<1x96xi32, #tpu.memory_space<vmem>> -> memref<96xi32, #tpu.memory_space<vmem>>
        %dma_wait3A_60 = arith.constant 0 : i32
        %dma_wait3A_61 = arith.constant 0 : i32
        %dma_wait3A_62 = tpu.memref_slice %arg2[%dma_wait3A_60, %dma_wait3A_61] : memref<20480x128xf32, #tpu.memory_space<hbm>> -> memref<20480x128xf32, #tpu.memory_space<hbm>>
        tpu.wait_indirect_dma semaphore(%arg13 : memref<!tpu.dma_semaphore, #tpu.memory_space<semaphore_mem>>) src(%dma_wait3A_62 : memref<20480x128xf32, #tpu.memory_space<hbm>>) dst(%arg9 : memref<96x128xf32, #tpu.memory_space<vmem>>)
        %add3A_63 = arith.constant 1 : i32
        %add3A_64 = arith.addi %mul3A_39, %add3A_63 : i32
        %add3A_65 = arith.constant 2 : i32
        %add3A_66 = arith.addi %add3A_64, %add3A_65 : i32
        %lt3A_67 = arith.constant 42 : i32
        %lt3A_68 = arith.cmpi slt, %add3A_66, %lt3A_67 : i32
        %convert_element_type3A_69 = arith.extui %lt3A_68 : i1 to i32
        %cond3A_70 = arith.constant 0 : i32
        %cond3A_71 = arith.cmpi ne, %convert_element_type3A_69, %cond3A_70 : i32
        scf.if %cond3A_71 {
          %add3A_93 = arith.constant 1 : i32
          %add3A_94 = arith.addi %mul3A_39, %add3A_93 : i32
          %add3A_95 = arith.constant 2 : i32
          %add3A_96 = arith.addi %add3A_94, %add3A_95 : i32
          %dma_start3A_97 = arith.constant 0 : i32
          %dma_start3A_98 = tpu.memref_slice %arg6[%add3A_96, %dma_start3A_97] : memref<42x96xi32, #tpu.memory_space<vmem>> -> memref<1x96xi32, #tpu.memory_space<vmem>>
          %dma_start3A_99 = tpu.memref_squeeze %dma_start3A_98 : memref<1x96xi32, #tpu.memory_space<vmem>> -> memref<96xi32, #tpu.memory_space<vmem>>
          %dma_start3A_100 = arith.constant 0 : i32
          %dma_start3A_101 = arith.constant 0 : i32
          %dma_start3A_102 = tpu.memref_slice %arg2[%dma_start3A_100, %dma_start3A_101] : memref<20480x128xf32, #tpu.memory_space<hbm>> -> memref<20480x128xf32, #tpu.memory_space<hbm>>
          tpu.enqueue_indirect_dma source(%dma_start3A_102 : memref<20480x128xf32, #tpu.memory_space<hbm>>) target(%arg8 : memref<96x128xf32, #tpu.memory_space<vmem>>) offsets(%dma_start3A_99 : memref<96xi32, #tpu.memory_space<vmem>>) semaphore(%arg12 : memref<!tpu.dma_semaphore, #tpu.memory_space<semaphore_mem>>)
        } else {
        }
        %add3A_72 = arith.constant 1 : i32
        %add3A_73 = arith.addi %mul3A_39, %add3A_72 : i32
        "tpu.region"() ({
          %run_scoped3A = tpu.sem_alloc : memref<!tpu.dma_semaphore, #tpu.memory_space<semaphore_mem>>
          %dma_start3A_93 = arith.constant 0 : i32
          %dma_start3A_94 = tpu.memref_slice %arg7[%add3A_73, %dma_start3A_93] : memref<42x96xi32, #tpu.memory_space<vmem>> -> memref<1x96xi32, #tpu.memory_space<vmem>>
          %dma_start3A_95 = tpu.memref_squeeze %dma_start3A_94 : memref<1x96xi32, #tpu.memory_space<vmem>> -> memref<96xi32, #tpu.memory_space<vmem>>
          %dma_start3A_96 = arith.constant 0 : i32
          %dma_start3A_97 = arith.constant 0 : i32
          %dma_start3A_98 = tpu.memref_slice %arg11[%dma_start3A_96, %dma_start3A_97] : memref<10240x128xf32, #tpu.memory_space<vmem_shared>> -> memref<10240x128xf32, #tpu.memory_space<vmem_shared>>
          tpu.enqueue_indirect_dma source(%arg9 : memref<96x128xf32, #tpu.memory_space<vmem>>) target(%dma_start3A_98 : memref<10240x128xf32, #tpu.memory_space<vmem_shared>>) offsets(%dma_start3A_95 : memref<96xi32, #tpu.memory_space<vmem>>) semaphore(%run_scoped3A : memref<!tpu.dma_semaphore, #tpu.memory_space<semaphore_mem>>) {add = true}
          %dma_wait3A_99 = arith.constant 0 : i32
          %dma_wait3A_100 = tpu.memref_slice %arg7[%add3A_73, %dma_wait3A_99] : memref<42x96xi32, #tpu.memory_space<vmem>> -> memref<1x96xi32, #tpu.memory_space<vmem>>
          %dma_wait3A_101 = tpu.memref_squeeze %dma_wait3A_100 : memref<1x96xi32, #tpu.memory_space<vmem>> -> memref<96xi32, #tpu.memory_space<vmem>>
          %dma_wait3A_102 = arith.constant 0 : i32
          %dma_wait3A_103 = arith.constant 0 : i32
          %dma_wait3A_104 = tpu.memref_slice %arg11[%dma_wait3A_102, %dma_wait3A_103] : memref<10240x128xf32, #tpu.memory_space<vmem_shared>> -> memref<10240x128xf32, #tpu.memory_space<vmem_shared>>
          tpu.wait_indirect_dma semaphore(%run_scoped3A : memref<!tpu.dma_semaphore, #tpu.memory_space<semaphore_mem>>) src(%arg9 : memref<96x128xf32, #tpu.memory_space<vmem>>) dst(%dma_wait3A_104 : memref<10240x128xf32, #tpu.memory_space<vmem_shared>>)
          tpu.yield
        }) : () -> ()
        %add3A_74 = arith.constant 2 : i32
        %add3A_75 = arith.addi %mul3A_39, %add3A_74 : i32
        %dma_wait3A_76 = arith.constant 0 : i32
        %dma_wait3A_77 = tpu.memref_slice %arg6[%add3A_75, %dma_wait3A_76] : memref<42x96xi32, #tpu.memory_space<vmem>> -> memref<1x96xi32, #tpu.memory_space<vmem>>
        %dma_wait3A_78 = tpu.memref_squeeze %dma_wait3A_77 : memref<1x96xi32, #tpu.memory_space<vmem>> -> memref<96xi32, #tpu.memory_space<vmem>>
        %dma_wait3A_79 = arith.constant 0 : i32
        %dma_wait3A_80 = arith.constant 0 : i32
        %dma_wait3A_81 = tpu.memref_slice %arg2[%dma_wait3A_79, %dma_wait3A_80] : memref<20480x128xf32, #tpu.memory_space<hbm>> -> memref<20480x128xf32, #tpu.memory_space<hbm>>
        tpu.wait_indirect_dma semaphore(%arg14 : memref<!tpu.dma_semaphore, #tpu.memory_space<semaphore_mem>>) src(%dma_wait3A_81 : memref<20480x128xf32, #tpu.memory_space<hbm>>) dst(%arg10 : memref<96x128xf32, #tpu.memory_space<vmem>>)
        %add3A_82 = arith.constant 2 : i32
        %add3A_83 = arith.addi %mul3A_39, %add3A_82 : i32
        %add3A_84 = arith.constant 2 : i32
        %add3A_85 = arith.addi %add3A_83, %add3A_84 : i32
        %lt3A_86 = arith.constant 42 : i32
        %lt3A_87 = arith.cmpi slt, %add3A_85, %lt3A_86 : i32
        %convert_element_type3A_88 = arith.extui %lt3A_87 : i1 to i32
        %cond3A_89 = arith.constant 0 : i32
        %cond3A_90 = arith.cmpi ne, %convert_element_type3A_88, %cond3A_89 : i32
        scf.if %cond3A_90 {
          %add3A_93 = arith.constant 2 : i32
          %add3A_94 = arith.addi %mul3A_39, %add3A_93 : i32
          %add3A_95 = arith.constant 2 : i32
          %add3A_96 = arith.addi %add3A_94, %add3A_95 : i32
          %dma_start3A_97 = arith.constant 0 : i32
          %dma_start3A_98 = tpu.memref_slice %arg6[%add3A_96, %dma_start3A_97] : memref<42x96xi32, #tpu.memory_space<vmem>> -> memref<1x96xi32, #tpu.memory_space<vmem>>
          %dma_start3A_99 = tpu.memref_squeeze %dma_start3A_98 : memref<1x96xi32, #tpu.memory_space<vmem>> -> memref<96xi32, #tpu.memory_space<vmem>>
          %dma_start3A_100 = arith.constant 0 : i32
          %dma_start3A_101 = arith.constant 0 : i32
          %dma_start3A_102 = tpu.memref_slice %arg2[%dma_start3A_100, %dma_start3A_101] : memref<20480x128xf32, #tpu.memory_space<hbm>> -> memref<20480x128xf32, #tpu.memory_space<hbm>>
          tpu.enqueue_indirect_dma source(%dma_start3A_102 : memref<20480x128xf32, #tpu.memory_space<hbm>>) target(%arg9 : memref<96x128xf32, #tpu.memory_space<vmem>>) offsets(%dma_start3A_99 : memref<96xi32, #tpu.memory_space<vmem>>) semaphore(%arg13 : memref<!tpu.dma_semaphore, #tpu.memory_space<semaphore_mem>>)
        } else {
        }
        %add3A_91 = arith.constant 2 : i32
        %add3A_92 = arith.addi %mul3A_39, %add3A_91 : i32
        "tpu.region"() ({
          %run_scoped3A = tpu.sem_alloc : memref<!tpu.dma_semaphore, #tpu.memory_space<semaphore_mem>>
          %dma_start3A_93 = arith.constant 0 : i32
          %dma_start3A_94 = tpu.memref_slice %arg7[%add3A_92, %dma_start3A_93] : memref<42x96xi32, #tpu.memory_space<vmem>> -> memref<1x96xi32, #tpu.memory_space<vmem>>
          %dma_start3A_95 = tpu.memref_squeeze %dma_start3A_94 : memref<1x96xi32, #tpu.memory_space<vmem>> -> memref<96xi32, #tpu.memory_space<vmem>>
          %dma_start3A_96 = arith.constant 0 : i32
          %dma_start3A_97 = arith.constant 0 : i32
          %dma_start3A_98 = tpu.memref_slice %arg11[%dma_start3A_96, %dma_start3A_97] : memref<10240x128xf32, #tpu.memory_space<vmem_shared>> -> memref<10240x128xf32, #tpu.memory_space<vmem_shared>>
          tpu.enqueue_indirect_dma source(%arg10 : memref<96x128xf32, #tpu.memory_space<vmem>>) target(%dma_start3A_98 : memref<10240x128xf32, #tpu.memory_space<vmem_shared>>) offsets(%dma_start3A_95 : memref<96xi32, #tpu.memory_space<vmem>>) semaphore(%run_scoped3A : memref<!tpu.dma_semaphore, #tpu.memory_space<semaphore_mem>>) {add = true}
          %dma_wait3A_99 = arith.constant 0 : i32
          %dma_wait3A_100 = tpu.memref_slice %arg7[%add3A_92, %dma_wait3A_99] : memref<42x96xi32, #tpu.memory_space<vmem>> -> memref<1x96xi32, #tpu.memory_space<vmem>>
          %dma_wait3A_101 = tpu.memref_squeeze %dma_wait3A_100 : memref<1x96xi32, #tpu.memory_space<vmem>> -> memref<96xi32, #tpu.memory_space<vmem>>
          %dma_wait3A_102 = arith.constant 0 : i32
          %dma_wait3A_103 = arith.constant 0 : i32
          %dma_wait3A_104 = tpu.memref_slice %arg11[%dma_wait3A_102, %dma_wait3A_103] : memref<10240x128xf32, #tpu.memory_space<vmem_shared>> -> memref<10240x128xf32, #tpu.memory_space<vmem_shared>>
          tpu.wait_indirect_dma semaphore(%run_scoped3A : memref<!tpu.dma_semaphore, #tpu.memory_space<semaphore_mem>>) src(%arg10 : memref<96x128xf32, #tpu.memory_space<vmem>>) dst(%dma_wait3A_104 : memref<10240x128xf32, #tpu.memory_space<vmem_shared>>)
          tpu.yield
        }) : () -> ()
      }
      %scan3A_36 = arith.constant 14 : i32
    }
    %scan3A_9 = arith.constant 5 : i32
    %barrier3A_10 = arith.constant 0 : index
    tpu.barrier barrier_id(%barrier3A_10)
    %mul3A_11 = arith.constant 640 : i32
    %mul3A_12 = arith.muli %arg1, %mul3A_11 : i32
    %mul3A_13 = arith.constant 10240 : i32
    %mul3A_14 = arith.muli %arg0, %mul3A_13 : i32
    %mul3A_15 = arith.constant 640 : i32
    %mul3A_16 = arith.muli %arg1, %mul3A_15 : i32
    %add3A_17 = arith.addi %mul3A_14, %mul3A_16 : i32
    "tpu.region"() ({
      %run_scoped3A = tpu.sem_alloc : memref<!tpu.dma_semaphore, #tpu.memory_space<semaphore_mem>>
      %dma_start3A = arith.constant 0 : i32
      %dma_start3A_18 = tpu.memref_slice %arg5[%add3A_17, %dma_start3A] : memref<20480x128xf32, #tpu.memory_space<hbm>> -> memref<640x128xf32, #tpu.memory_space<hbm>>
      %dma_start3A_19 = arith.constant 0 : i32
      %dma_start3A_20 = tpu.memref_slice %arg11[%mul3A_12, %dma_start3A_19] : memref<10240x128xf32, #tpu.memory_space<vmem_shared>> -> memref<640x128xf32, #tpu.memory_space<vmem_shared>>
      tpu.enqueue_dma source(%dma_start3A_20 : memref<640x128xf32, #tpu.memory_space<vmem_shared>>) target(%dma_start3A_18 : memref<640x128xf32, #tpu.memory_space<hbm>>) target_semaphore(%run_scoped3A : memref<!tpu.dma_semaphore, #tpu.memory_space<semaphore_mem>>)
      %dma_wait3A = arith.constant 0 : i32
      %dma_wait3A_21 = tpu.memref_slice %arg5[%add3A_17, %dma_wait3A] : memref<20480x128xf32, #tpu.memory_space<hbm>> -> memref<640x128xf32, #tpu.memory_space<hbm>>
      %dma_wait3A_22 = arith.constant 0 : i32
      %dma_wait3A_23 = tpu.memref_slice %arg11[%mul3A_12, %dma_wait3A_22] : memref<10240x128xf32, #tpu.memory_space<vmem_shared>> -> memref<640x128xf32, #tpu.memory_space<vmem_shared>>
      tpu.wait_dma2 semaphore(%run_scoped3A : memref<!tpu.dma_semaphore, #tpu.memory_space<semaphore_mem>>) src(%dma_wait3A_23 : memref<640x128xf32, #tpu.memory_space<vmem_shared>>) dst(%dma_wait3A_21 : memref<640x128xf32, #tpu.memory_space<hbm>>)
      tpu.yield
    }) : () -> ()
    return
  }
}

module attributes {stable_mosaic.version = 14 : i64} {
  func.func @_mm1_body(%arg0: i32, %arg1: memref<5120x128xf32, #tpu.memory_space<vmem>>, %arg2: memref<128x256xf32, #tpu.memory_space<vmem>>, %arg3: memref<2x5120xf32, #tpu.memory_space<vmem>>, %arg4: memref<2x5120x128xf32, #tpu.memory_space<vmem>>) attributes {dimension_semantics = [#tpu.dimension_semantics<arbitrary>], iteration_bounds = array<i64: 2>, scalar_prefetch = 0 : i64, scratch_operands = 0 : i64, tpu.core_type = #tpu.core_type<tc>, window_params = [{transform_indices = @transform_0, window_bounds = array<i64: 5120, 128>}, {pipeline_mode = #tpu.pipeline_mode<synchronous>, transform_indices = @transform_1, window_bounds = array<i64: 128, 256>}, {transform_indices = @transform_2, window_bounds = array<i64: 2, 5120>}, {transform_indices = @transform_3, window_bounds = array<i64: 2, 5120, 128>}]} {
    %get3A = arith.constant 0 : index
    %get3A_0 = arith.constant 0 : index
    %get3A_1 = vector.load %arg3[%get3A, %get3A_0] : memref<2x5120xf32, #tpu.memory_space<vmem>>, vector<1x5120xf32>
    %get3A_2 = vector.shape_cast %get3A_1 : vector<1x5120xf32> to vector<5120xf32>
    %get3A_3 = arith.constant 1 : index
    %get3A_4 = arith.constant 0 : index
    %get3A_5 = vector.load %arg3[%get3A_3, %get3A_4] : memref<2x5120xf32, #tpu.memory_space<vmem>>, vector<1x5120xf32>
    %get3A_6 = vector.shape_cast %get3A_5 : vector<1x5120xf32> to vector<5120xf32>
    %add3A = arith.addf %get3A_2, %get3A_6 : vector<5120xf32>
    %sub3A = arith.constant 1.000000e+00 : f32
    %sub3A_7 = vector.broadcast %sub3A : f32 to vector<5120xf32>
    %sub3A_8 = arith.subf %add3A, %sub3A_7 : vector<5120xf32>
    %max3A = arith.constant 1.000000e+00 : f32
    %max3A_9 = vector.broadcast %max3A : f32 to vector<5120xf32>
    %max3A_10 = arith.maximumf %sub3A_8, %max3A_9 : vector<5120xf32>
    %rsqrt3A = math.rsqrt %max3A_10 : vector<5120xf32>
    %get3A_11 = arith.constant 0 : index
    %get3A_12 = arith.constant 0 : index
    %get3A_13 = vector.load %arg1[%get3A_11, %get3A_12] : memref<5120x128xf32, #tpu.memory_space<vmem>>, vector<5120x128xf32>
    %get3A_14 = arith.constant 0 : index
    %get3A_15 = arith.constant 0 : index
    %get3A_16 = vector.load %arg2[%get3A_14, %get3A_15] : memref<128x256xf32, #tpu.memory_space<vmem>>, vector<128x256xf32>
    %dot_general3A = arith.constant dense<0.000000e+00> : vector<5120x256xf32>
    %dot_general3A_17 = tpu.matmul %get3A_13, %get3A_16, %dot_general3A {dimension_numbers = #tpu.dot_dimension_numbers<[1], [0], [0], [1], [0, 0, 1, 1], [], []>, transpose_lhs_hint = false} : vector<5120x128xf32>, vector<128x256xf32>, vector<5120x256xf32> -> vector<5120x256xf32>
    %broadcast_in_dim3A = vector.shape_cast %rsqrt3A : vector<5120xf32> to vector<5120x1xf32>
    %mul3A = vector.broadcast %broadcast_in_dim3A : vector<5120x1xf32> to vector<5120x256xf32>
    %mul3A_18 = arith.mulf %dot_general3A_17, %mul3A : vector<5120x256xf32>
    %slice3A = vector.extract_strided_slice %mul3A_18 {offsets = [0, 0], sizes = [5120, 128], strides = [1, 1]} : vector<5120x256xf32> to vector<5120x128xf32>
    %swap3A = arith.constant 0 : index
    %swap3A_19 = arith.constant 0 : index
    %swap3A_20 = arith.constant 0 : index
    %swap3A_21 = vector.load %arg4[%swap3A, %swap3A_19, %swap3A_20] : memref<2x5120x128xf32, #tpu.memory_space<vmem>>, vector<1x5120x128xf32>
    %swap3A_22 = vector.shape_cast %swap3A_21 : vector<1x5120x128xf32> to vector<5120x128xf32>
    %swap3A_23 = vector.shape_cast %slice3A : vector<5120x128xf32> to vector<1x5120x128xf32>
    tpu.vector_store %arg4[%swap3A, %swap3A_19, %swap3A_20], %swap3A_23 {strides = array<i32>} : memref<2x5120x128xf32, #tpu.memory_space<vmem>>, vector<1x5120x128xf32>,
    %slice3A_24 = vector.extract_strided_slice %mul3A_18 {offsets = [0, 128], sizes = [5120, 128], strides = [1, 1]} : vector<5120x256xf32> to vector<5120x128xf32>
    %swap3A_25 = arith.constant 1 : index
    %swap3A_26 = arith.constant 0 : index
    %swap3A_27 = arith.constant 0 : index
    %swap3A_28 = vector.load %arg4[%swap3A_25, %swap3A_26, %swap3A_27] : memref<2x5120x128xf32, #tpu.memory_space<vmem>>, vector<1x5120x128xf32>
    %swap3A_29 = vector.shape_cast %swap3A_28 : vector<1x5120x128xf32> to vector<5120x128xf32>
    %swap3A_30 = vector.shape_cast %slice3A_24 : vector<5120x128xf32> to vector<1x5120x128xf32>
    tpu.vector_store %arg4[%swap3A_25, %swap3A_26, %swap3A_27], %swap3A_30 {strides = array<i32>} : memref<2x5120x128xf32, #tpu.memory_space<vmem>>, vector<1x5120x128xf32>,
    return
  }
  func.func @transform_0(%arg0: i32) -> (i32, i32) {
    %c0_i32 = arith.constant 0 : i32
    %c0_i32_0 = arith.constant 0 : i32
    return %arg0, %c0_i32 : i32, i32
  }
  func.func @transform_1(%arg0: i32) -> (i32, i32) {
    %c0_i32 = arith.constant 0 : i32
    %c0_i32_0 = arith.constant 0 : i32
    %c0_i32_1 = arith.constant 0 : i32
    return %c0_i32, %c0_i32_0 : i32, i32
  }
  func.func @transform_2(%arg0: i32) -> (i32, i32) {
    %c0_i32 = arith.constant 0 : i32
    %c0_i32_0 = arith.constant 0 : i32
    return %c0_i32, %arg0 : i32, i32
  }
  func.func @transform_3(%arg0: i32) -> (i32, i32, i32) {
    %c0_i32 = arith.constant 0 : i32
    %c0_i32_0 = arith.constant 0 : i32
    %c0_i32_1 = arith.constant 0 : i32
    return %c0_i32, %arg0, %c0_i32_0 : i32, i32, i32
  }
}

module attributes {stable_mosaic.version = 14 : i64} {
  func.func @_mm2_body(%arg0: i32, %arg1: memref<2x5120x128xf32, #tpu.memory_space<vmem>>, %arg2: memref<2x5120xf32, #tpu.memory_space<vmem>>, %arg3: memref<1x256xf32, #tpu.memory_space<vmem>>, %arg4: memref<256x128xf32, #tpu.memory_space<vmem>>, %arg5: memref<5120x128xf32, #tpu.memory_space<vmem>>) attributes {dimension_semantics = [#tpu.dimension_semantics<arbitrary>], iteration_bounds = array<i64: 2>, scalar_prefetch = 0 : i64, scratch_operands = 0 : i64, tpu.core_type = #tpu.core_type<tc>, window_params = [{transform_indices = @transform_0, window_bounds = array<i64: 2, 5120, 128>}, {transform_indices = @transform_1, window_bounds = array<i64: 2, 5120>}, {pipeline_mode = #tpu.pipeline_mode<synchronous>, transform_indices = @transform_2, window_bounds = array<i64: 1, 256>}, {pipeline_mode = #tpu.pipeline_mode<synchronous>, transform_indices = @transform_3, window_bounds = array<i64: 256, 128>}, {transform_indices = @transform_4, window_bounds = array<i64: 5120, 128>}]} {
    %get3A = arith.constant 0 : index
    %get3A_0 = arith.constant 0 : index
    %get3A_1 = vector.load %arg2[%get3A, %get3A_0] : memref<2x5120xf32, #tpu.memory_space<vmem>>, vector<1x5120xf32>
    %get3A_2 = vector.shape_cast %get3A_1 : vector<1x5120xf32> to vector<5120xf32>
    %get3A_3 = arith.constant 1 : index
    %get3A_4 = arith.constant 0 : index
    %get3A_5 = vector.load %arg2[%get3A_3, %get3A_4] : memref<2x5120xf32, #tpu.memory_space<vmem>>, vector<1x5120xf32>
    %get3A_6 = vector.shape_cast %get3A_5 : vector<1x5120xf32> to vector<5120xf32>
    %add3A = arith.addf %get3A_2, %get3A_6 : vector<5120xf32>
    %sub3A = arith.constant 1.000000e+00 : f32
    %sub3A_7 = vector.broadcast %sub3A : f32 to vector<5120xf32>
    %sub3A_8 = arith.subf %add3A, %sub3A_7 : vector<5120xf32>
    %max3A = arith.constant 1.000000e+00 : f32
    %max3A_9 = vector.broadcast %max3A : f32 to vector<5120xf32>
    %max3A_10 = arith.maximumf %sub3A_8, %max3A_9 : vector<5120xf32>
    %rsqrt3A = math.rsqrt %max3A_10 : vector<5120xf32>
    %get3A_11 = arith.constant 0 : index
    %get3A_12 = arith.constant 0 : index
    %get3A_13 = arith.constant 0 : index
    %get3A_14 = vector.load %arg1[%get3A_11, %get3A_12, %get3A_13] : memref<2x5120x128xf32, #tpu.memory_space<vmem>>, vector<1x5120x128xf32>
    %get3A_15 = vector.shape_cast %get3A_14 : vector<1x5120x128xf32> to vector<5120x128xf32>
    %get3A_16 = arith.constant 1 : index
    %get3A_17 = arith.constant 0 : index
    %get3A_18 = arith.constant 0 : index
    %get3A_19 = vector.load %arg1[%get3A_16, %get3A_17, %get3A_18] : memref<2x5120x128xf32, #tpu.memory_space<vmem>>, vector<1x5120x128xf32>
    %get3A_20 = vector.shape_cast %get3A_19 : vector<1x5120x128xf32> to vector<5120x128xf32>
    %concatenate3A = tpu.concatenate %get3A_15, %get3A_20 in 1 : vector<5120x128xf32>, vector<5120x128xf32> -> vector<5120x256xf32>
    %broadcast_in_dim3A = vector.shape_cast %rsqrt3A : vector<5120xf32> to vector<5120x1xf32>
    %mul3A = vector.broadcast %broadcast_in_dim3A : vector<5120x1xf32> to vector<5120x256xf32>
    %mul3A_21 = arith.mulf %concatenate3A, %mul3A : vector<5120x256xf32>
    %get3A_22 = arith.constant 0 : index
    %get3A_23 = arith.constant 0 : index
    %get3A_24 = vector.load %arg3[%get3A_22, %get3A_23] : memref<1x256xf32, #tpu.memory_space<vmem>>, vector<1x256xf32>
    %get3A_25 = vector.shape_cast %get3A_24 : vector<1x256xf32> to vector<256xf32>
    %broadcast_in_dim3A_26 = vector.shape_cast %get3A_25 : vector<256xf32> to vector<1x256xf32>
    %add3A_27 = vector.broadcast %broadcast_in_dim3A_26 : vector<1x256xf32> to vector<5120x256xf32>
    %add3A_28 = arith.addf %mul3A_21, %add3A_27 : vector<5120x256xf32>
    %max3A_29 = arith.constant 0.000000e+00 : f32
    %max3A_30 = vector.broadcast %max3A_29 : f32 to vector<5120x256xf32>
    %max3A_31 = arith.maximumf %add3A_28, %max3A_30 : vector<5120x256xf32>
    %get3A_32 = arith.constant 0 : index
    %get3A_33 = arith.constant 0 : index
    %get3A_34 = vector.load %arg4[%get3A_32, %get3A_33] : memref<256x128xf32, #tpu.memory_space<vmem>>, vector<256x128xf32>
    %dot_general3A = arith.constant dense<0.000000e+00> : vector<5120x128xf32>
    %dot_general3A_35 = tpu.matmul %max3A_31, %get3A_34, %dot_general3A {dimension_numbers = #tpu.dot_dimension_numbers<[1], [0], [0], [1], [0, 0, 1, 1], [], []>, transpose_lhs_hint = false} : vector<5120x256xf32>, vector<256x128xf32>, vector<5120x128xf32> -> vector<5120x128xf32>
    %broadcast_in_dim3A_36 = vector.shape_cast %rsqrt3A : vector<5120xf32> to vector<5120x1xf32>
    %mul3A_37 = vector.broadcast %broadcast_in_dim3A_36 : vector<5120x1xf32> to vector<5120x128xf32>
    %mul3A_38 = arith.mulf %dot_general3A_35, %mul3A_37 : vector<5120x128xf32>
    %swap3A = arith.constant 0 : index
    %swap3A_39 = arith.constant 0 : index
    %swap3A_40 = vector.load %arg5[%swap3A, %swap3A_39] : memref<5120x128xf32, #tpu.memory_space<vmem>>, vector<5120x128xf32>
    tpu.vector_store %arg5[%swap3A, %swap3A_39], %mul3A_38 {strides = array<i32>} : memref<5120x128xf32, #tpu.memory_space<vmem>>, vector<5120x128xf32>,
    return
  }
  func.func @transform_0(%arg0: i32) -> (i32, i32, i32) {
    %c0_i32 = arith.constant 0 : i32
    %c0_i32_0 = arith.constant 0 : i32
    %c0_i32_1 = arith.constant 0 : i32
    return %c0_i32, %arg0, %c0_i32_0 : i32, i32, i32
  }
  func.func @transform_1(%arg0: i32) -> (i32, i32) {
    %c0_i32 = arith.constant 0 : i32
    %c0_i32_0 = arith.constant 0 : i32
    return %c0_i32, %arg0 : i32, i32
  }
  func.func @transform_2(%arg0: i32) -> (i32, i32) {
    %c0_i32 = arith.constant 0 : i32
    %c0_i32_0 = arith.constant 0 : i32
    %c0_i32_1 = arith.constant 0 : i32
    return %c0_i32, %c0_i32_0 : i32, i32
  }
  func.func @transform_3(%arg0: i32) -> (i32, i32) {
    %c0_i32 = arith.constant 0 : i32
    %c0_i32_0 = arith.constant 0 : i32
    %c0_i32_1 = arith.constant 0 : i32
    return %c0_i32, %c0_i32_0 : i32, i32
  }
  func.func @transform_4(%arg0: i32) -> (i32, i32) {
    %c0_i32 = arith.constant 0 : i32
    %c0_i32_0 = arith.constant 0 : i32
    return %arg0, %c0_i32 : i32, i32
  }
}

module attributes {stable_mosaic.version = 14 : i64} {
  func.func @_mm3_body(%arg0: i32, %arg1: memref<2x5120x128xf32, #tpu.memory_space<vmem>>, %arg2: memref<5120x128xf32, #tpu.memory_space<vmem>>, %arg3: memref<2x5120xf32, #tpu.memory_space<vmem>>, %arg4: memref<1x128xf32, #tpu.memory_space<vmem>>, %arg5: memref<5120x128xf32, #tpu.memory_space<vmem>>) attributes {dimension_semantics = [#tpu.dimension_semantics<arbitrary>], iteration_bounds = array<i64: 2>, scalar_prefetch = 0 : i64, scratch_operands = 0 : i64, tpu.core_type = #tpu.core_type<tc>, window_params = [{transform_indices = @transform_0, window_bounds = array<i64: 2, 5120, 128>}, {transform_indices = @transform_1, window_bounds = array<i64: 5120, 128>}, {transform_indices = @transform_2, window_bounds = array<i64: 2, 5120>}, {pipeline_mode = #tpu.pipeline_mode<synchronous>, transform_indices = @transform_3, window_bounds = array<i64: 1, 128>}, {transform_indices = @transform_4, window_bounds = array<i64: 5120, 128>}]} {
    %get3A = arith.constant 0 : index
    %get3A_0 = arith.constant 0 : index
    %get3A_1 = vector.load %arg3[%get3A, %get3A_0] : memref<2x5120xf32, #tpu.memory_space<vmem>>, vector<1x5120xf32>
    %get3A_2 = vector.shape_cast %get3A_1 : vector<1x5120xf32> to vector<5120xf32>
    %get3A_3 = arith.constant 1 : index
    %get3A_4 = arith.constant 0 : index
    %get3A_5 = vector.load %arg3[%get3A_3, %get3A_4] : memref<2x5120xf32, #tpu.memory_space<vmem>>, vector<1x5120xf32>
    %get3A_6 = vector.shape_cast %get3A_5 : vector<1x5120xf32> to vector<5120xf32>
    %add3A = arith.addf %get3A_2, %get3A_6 : vector<5120xf32>
    %sub3A = arith.constant 1.000000e+00 : f32
    %sub3A_7 = vector.broadcast %sub3A : f32 to vector<5120xf32>
    %sub3A_8 = arith.subf %add3A, %sub3A_7 : vector<5120xf32>
    %max3A = arith.constant 1.000000e+00 : f32
    %max3A_9 = vector.broadcast %max3A : f32 to vector<5120xf32>
    %max3A_10 = arith.maximumf %sub3A_8, %max3A_9 : vector<5120xf32>
    %rsqrt3A = math.rsqrt %max3A_10 : vector<5120xf32>
    %get3A_11 = arith.constant 0 : index
    %get3A_12 = arith.constant 0 : index
    %get3A_13 = arith.constant 0 : index
    %get3A_14 = vector.load %arg1[%get3A_11, %get3A_12, %get3A_13] : memref<2x5120x128xf32, #tpu.memory_space<vmem>>, vector<1x5120x128xf32>
    %get3A_15 = vector.shape_cast %get3A_14 : vector<1x5120x128xf32> to vector<5120x128xf32>
    %get3A_16 = arith.constant 1 : index
    %get3A_17 = arith.constant 0 : index
    %get3A_18 = arith.constant 0 : index
    %get3A_19 = vector.load %arg1[%get3A_16, %get3A_17, %get3A_18] : memref<2x5120x128xf32, #tpu.memory_space<vmem>>, vector<1x5120x128xf32>
    %get3A_20 = vector.shape_cast %get3A_19 : vector<1x5120x128xf32> to vector<5120x128xf32>
    %add3A_21 = arith.addf %get3A_15, %get3A_20 : vector<5120x128xf32>
    %get3A_22 = arith.constant 0 : index
    %get3A_23 = arith.constant 0 : index
    %get3A_24 = vector.load %arg2[%get3A_22, %get3A_23] : memref<5120x128xf32, #tpu.memory_space<vmem>>, vector<5120x128xf32>
    %sub3A_25 = arith.subf %add3A_21, %get3A_24 : vector<5120x128xf32>
    %broadcast_in_dim3A = vector.shape_cast %rsqrt3A : vector<5120xf32> to vector<5120x1xf32>
    %mul3A = vector.broadcast %broadcast_in_dim3A : vector<5120x1xf32> to vector<5120x128xf32>
    %mul3A_26 = arith.mulf %sub3A_25, %mul3A : vector<5120x128xf32>
    %get3A_27 = arith.constant 0 : index
    %get3A_28 = arith.constant 0 : index
    %get3A_29 = vector.load %arg4[%get3A_27, %get3A_28] : memref<1x128xf32, #tpu.memory_space<vmem>>, vector<1x128xf32>
    %get3A_30 = vector.shape_cast %get3A_29 : vector<1x128xf32> to vector<128xf32>
    %broadcast_in_dim3A_31 = vector.shape_cast %get3A_30 : vector<128xf32> to vector<1x128xf32>
    %add3A_32 = vector.broadcast %broadcast_in_dim3A_31 : vector<1x128xf32> to vector<5120x128xf32>
    %add3A_33 = arith.addf %mul3A_26, %add3A_32 : vector<5120x128xf32>
    %swap3A = arith.constant 0 : index
    %swap3A_34 = arith.constant 0 : index
    %swap3A_35 = vector.load %arg5[%swap3A, %swap3A_34] : memref<5120x128xf32, #tpu.memory_space<vmem>>, vector<5120x128xf32>
    tpu.vector_store %arg5[%swap3A, %swap3A_34], %add3A_33 {strides = array<i32>} : memref<5120x128xf32, #tpu.memory_space<vmem>>, vector<5120x128xf32>,
    return
  }
  func.func @transform_0(%arg0: i32) -> (i32, i32, i32) {
    %c0_i32 = arith.constant 0 : i32
    %c0_i32_0 = arith.constant 0 : i32
    %c0_i32_1 = arith.constant 0 : i32
    return %c0_i32, %arg0, %c0_i32_0 : i32, i32, i32
  }
  func.func @transform_1(%arg0: i32) -> (i32, i32) {
    %c0_i32 = arith.constant 0 : i32
    %c0_i32_0 = arith.constant 0 : i32
    return %arg0, %c0_i32 : i32, i32
  }
  func.func @transform_2(%arg0: i32) -> (i32, i32) {
    %c0_i32 = arith.constant 0 : i32
    %c0_i32_0 = arith.constant 0 : i32
    return %c0_i32, %arg0 : i32, i32
  }
  func.func @transform_3(%arg0: i32) -> (i32, i32) {
    %c0_i32 = arith.constant 0 : i32
    %c0_i32_0 = arith.constant 0 : i32
    %c0_i32_1 = arith.constant 0 : i32
    return %c0_i32, %c0_i32_0 : i32, i32
  }
  func.func @transform_4(%arg0: i32) -> (i32, i32) {
    %c0_i32 = arith.constant 0 : i32
    %c0_i32_0 = arith.constant 0 : i32
    return %arg0, %c0_i32 : i32, i32
  }
}

</mosaic_0001>

<sc_bundles>
// kernel: kernel.11.cloned.1.call-start
scs
__scs_entry_jumppad:
0x0: {  	(pc) =	sbr.rel $0x88, $3  }
0x1: {  	(tag) =	ssettag $0x0;
	lr =	simm.s32 $0x1  }
0x2: {  	[smem:$0x3F9B] =	sst lr;
	_ =	strace $0xD0000000  }
0x3: {  	_ = 	snop  }
0x4: {  	_ = 	snop  }
0x5: {  	_ = 	snop  }
0x6: {  	_ = 	snop  }
0x7: {  	_ = 	snop  }
__scs_overlays_trampoline_lowered:
0x8: {  	[smem:$0x3FAA] =	sst s0  }
0x9: {  	[smem:$0x3FAB] =	sst s1  }
0xa: {  	[smem:$0x3FAC] =	sst s2  }
0xb: {  	[smem:$0x3FAD] =	sst s3  }
0xc: {  	[smem:$0x3FAE] =	sst s4  }
0xd: {  	[smem:$0x3FAF] =	sst s5  }
0xe: {  	[smem:$0x3FB0] =	sst s6  }
0xf: {  	[smem:$0x3FB1] =	sst s7  }
0x10: {  	[smem:$0x3FB2] =	sst s8  }
0x11: {  	[smem:$0x3FB3] =	sst s9;
	s0 =	simm.s32 @!p0 $0x0  }
0x12: {  	s1 =	sld [smem:$0x3F99];
	s0 =	simm.s32 @p0 $0x1  }
0x13: {  	[smem:$0x3FB4] =	sst s0;
	s0 =	simm.s32 @!p1 $0x0  }
0x14: {  	s2 =	sld [smem:$0x3F98];
	s0 =	simm.s32 @p1 $0x1  }
0x15: {  	[smem:$0x3FB5] =	sst s0;
	s0 =	simm.s32 @!p2 $0x0  }
0x16: {  	s3 =	sld [smem:$0x3FDB];
	s0 =	simm.s32 @p2 $0x1  }
0x17: {  	s4 =	simm.s32 $0x1BF5;
	[smem:$0x3FB7] =	sst s0  }
0x18: {  	s0 =	sld [smem:$0x3F9A];
	_ =	swait.ge [sflag:s4], $0x0  }
0x19: {  	s7 =	sld [smem:$0x3F9B]  }
0x1a: {  	s8 =	sadd.s32 $0xFFFFE003, lr  }
0x1b: {  	s9 =	sadd.s32 $0xFFFFFEF7, lr;
	s5 =	simm.s32 $0xFFFFFFFF;
	p2 =	slt.u32 s8, $0xFFFFF086  }
0x1c: {  	p1 =	slt.u32 s9, $0xF7A;
	s5 =	simm.s32 @!p2 $0x0  }
0x1d: {  	s5 =	simm.s32 @p1 $0x1;
	p0 =	seq.s32 s7, s2  }
0x1e: {  	s7 =	smul.u32 @!p0 $0xF7A, s2;
	p2 =	seq.s32 @!p0 s5, $0x0  }
0x1f: {  	s9 =	smul.u32 $0xF7A, s1;
	s8 =	simm.s32 @!p0 $0x1BF5;
	p2 =	por !p2, p0  }
0x20: {  	[sflag:s8] =	ssyncset.s32 @!p0 $0xFFFFF086;
	s6 =	sadd.s32 @!p0 s3, s7;
	s7 =	simm.s32 @!p0 $0x108  }
0x21: {  	s3 =	sadd.s32 s3, s9;
	s6 =	sadd.s32 @!p0 $0x88, s6;
	s7 =	simm.s32 @p2 $0x1082  }
0x22: {  	[simem:s7], [sflag:s8] =	dma.local @!p0 [hbm:s6], $0xF7A  }
0x23: {  	s9 =	sor.u32 $0xD0000000, s2;
	s6 =	simm.s32 $0x108;
	_ =	swait.ge @!p0 [sflag:s8], $0x0  }
0x24: {  	s3 =	sadd.s32 $0x88, s3;
	s6 =	simm.s32 @!p1 $0x1082;
	[sflag:s4] =	ssyncset.s32 $0xFFFFF086  }
0x25: {  	[simem:s6], [sflag:s4] =	dma.local [hbm:s3], $0xF7A  }
0x26: {  	[smem:$0x3F9B] =	sst s1;
	(tag) =	ssettag s2;
	_ =	strace s9  }
0x27: {  	s1 =	sld [smem:$0x3FAB]  }
0x28: {  	s2 =	sld [smem:$0x3FAC]  }
0x29: {  	s4 =	sld [smem:$0x3FAE]  }
0x2a: {  	p0 =	seq.s32 s5, $0x0;
	s5 =	sld [smem:$0x3FAF]  }
0x2b: {  	s6 =	sld [smem:$0x3FB0]  }
0x2c: {  	s7 =	sld [smem:$0x3FB1]  }
0x2d: {  	s3 =	simm.s32 $0x108;
	s8 =	sld [smem:$0x3FB2]  }
0x2e: {  	s3 =	simm.s32 @!p0 $0x1082;
	s9 =	sld [smem:$0x3FB3]  }
0x2f: {  	lr =	sadd.s32 s0, s3;
	s0 =	sld [smem:$0x3FAA]  }
0x30: {  	s3 =	sld [smem:$0x3FAD]  }
0x31: {  	[smem:$0x3FB6] =	sst s10  }
0x32: {  	s10 =	sld [smem:$0x3FB4];
	_ =	sdelay $0x3  }
0x33: {  	p0 =	seq.s32 s10, $0x1;
	s10 =	sld [smem:$0x3FB6];
	_ =	sdelay $0x3  }
0x34: {  	[smem:$0x3FB6] =	sst s10  }
0x35: {  	s10 =	sld [smem:$0x3FB5];
	_ =	sdelay $0x3  }
0x36: {  	p1 =	seq.s32 s10, $0x1;
	s10 =	sld [smem:$0x3FB6];
	_ =	sdelay $0x3  }
0x37: {  	[smem:$0x3FB6] =	sst s10  }
0x38: {  	s10 =	sld [smem:$0x3FB7]  }
0x39: {  	_ = 	snop;
	(pc) =	sbr.ind lr, $3  }
0x3a: {  	_ = 	snop  }
0x3b: {  	_ = 	snop  }
0x3c: {  	p2 =	seq.s32 s10, $0x1;
	s10 =	sld [smem:$0x3FB6]  }
0x3d: {  	_ =	shalt  }
0x3e: {  	_ =	shalt  }
0x3f: {  	_ =	shalt  }
0x40: {  	_ =	shalt  }
0x41: {  	_ =	shalt  }
0x42: {  	_ =	shalt  }
0x43: {  	_ =	shalt  }
0x44: {  	_ =	shalt  }
0x45: {  	_ =	shalt  }
0x46: {  	_ =	shalt  }
0x47: {  	_ =	shalt  }
0x48: {  	_ =	shalt  }
0x49: {  	_ =	shalt  }
0x4a: {  	_ =	shalt  }
0x4b: {  	_ =	shalt  }
0x4c: {  	_ =	shalt  }
0x4d: {  	_ =	shalt  }
0x4e: {  	_ =	shalt  }
0x4f: {  	_ =	shalt  }
0x50: {  	_ =	shalt  }
0x51: {  	_ =	shalt  }
0x52: {  	_ =	shalt  }
0x53: {  	_ =	shalt  }
0x54: {  	_ =	shalt  }
0x55: {  	_ =	shalt  }
0x56: {  	_ =	shalt  }
0x57: {  	_ =	shalt  }
0x58: {  	_ =	shalt  }
0x59: {  	_ =	shalt  }
0x5a: {  	_ =	shalt  }
0x5b: {  	_ =	shalt  }
0x5c: {  	_ =	shalt  }
0x5d: {  	_ =	shalt  }
0x5e: {  	_ =	shalt  }
0x5f: {  	_ =	shalt  }
0x60: {  	_ =	shalt  }
0x61: {  	_ =	shalt  }
0x62: {  	_ =	shalt  }
0x63: {  	_ =	shalt  }
0x64: {  	_ =	shalt  }
0x65: {  	_ =	shalt  }
0x66: {  	_ =	shalt  }
0x67: {  	_ =	shalt  }
0x68: {  	_ =	shalt  }
0x69: {  	_ =	shalt  }
0x6a: {  	_ =	shalt  }
0x6b: {  	_ =	shalt  }
0x6c: {  	_ =	shalt  }
0x6d: {  	_ =	shalt  }
0x6e: {  	_ =	shalt  }
0x6f: {  	_ =	shalt  }
0x70: {  	_ =	shalt  }
0x71: {  	_ =	shalt  }
0x72: {  	_ =	shalt  }
0x73: {  	_ =	shalt  }
0x74: {  	_ =	shalt  }
0x75: {  	_ =	shalt  }
0x76: {  	_ =	shalt  }
0x77: {  	_ =	shalt  }
0x78: {  	_ =	shalt  }
0x79: {  	_ =	shalt  }
0x7a: {  	_ =	shalt  }
0x7b: {  	_ =	shalt  }
0x7c: {  	_ =	shalt  }
0x7d: {  	_ =	shalt  }
0x7e: {  	_ =	shalt  }
0x7f: {  	_ =	shalt  }
0x80: {  	_ =	shalt  }
0x81: {  	_ =	shalt  }
0x82: {  	_ =	shalt  }
0x83: {  	_ =	shalt  }
0x84: {  	_ =	shalt  }
0x85: {  	_ =	shalt  }
0x86: {  	_ =	shalt  }
0x87: {  	_ =	shalt  }
.Lfunc_end0:
.L_simem_size_0:
called_computation.1_lowered:
.L_overlay_start_0:
0x88: {  	s2 =	sld [smem:$0x3FD9]  }
0x89: {  	s3 =	sld [smem:$0x3FFE];
	_ =	sdelay $0x1  }
0x8a: {  	s1 =	srdreg.scid  }
0x8b: {  	s0 =	sand.u32 $0x1, s1  }
0x8c: {  	s17 =	sshll.u32 s0, $0xA;
	s2 =	sadd.s32 s3, s2  }
0x8d: {  	s2 =	sadd.s32 s2, s17  }
0x8e: {  	[smem:$0x3FC2] =	sst s2  }
0x8f: {  	_ = 	snop  }
0x90: {  	s2 =	sld [smem:$0x3FD0];
	(tm) =	ssettm $0x1  }
0x91: {  	s18 =	sld [smem:$0x3FFB];
	_ =	sdelay $0x3  }
0x92: {  	_ =	strace s18  }
0x93: {  	s3 =	sld [smem:$0x3FFC];
	_ =	sdelay $0x3  }
0x94: {  	_ =	strace s3  }
0x95: {  	s3 =	sld [smem:$0x3FFD];
	_ =	sdelay $0x3  }
0x96: {  	_ =	strace s3  }
0x97: {  	_ =	strace $0x8FFFFFFF  }
0x98: {  	s19 =	sld [smem:$0x3FDB];
	_ =	sdelay $0x1  }
0x99: {  	s4 =	simm.s32 $_scs_section_size  }
0x9a: {  	s5 =	simm.s32 $_size__tile_overlayer_lowered;
	s6 =	simm.s32 $_tile_overlayer_lowered  }
0x9b: {  	s22 =	simm.s32 $0x1BFF;
	s21 =	sshll.u32 s6, $0x1;
	s3 =	sadd.s32 s4, s19  }
0x9c: {  	s7 =	simm.s32 $0x0;
	s20 =	sshll.u32 s5, $0x1;
	s5 =	sadd.s32 s21, s3  }
0x9d: {  	[timem:s7], [sflag:s22] =	dma.local [hbm:s5], s20  }
0x9e: {  	_ =	swait.ge [sflag:s22], s20  }
0x9f: {  	s4 =	ssub.s32 $0x0, s20;
	[sflag:s22] =	ssyncset.done $0x0  }
0xa0: {  	[sflag:s22] =	ssyncadd.s32 s4;
	_ =	sdelay $0x1  }
0xa1: {  	s23 =	simm.s32 $0x1B8B  }
0xa2: {  	_ =	swait.ge [sflag:s23], $0x1  }
0xa3: {  	[sflag:s23] =	ssyncset.done $0x0  }
0xa4: {  	s25 =	simm.s32 $0x1B8E;
	s24 =	sld [smem:$0x3FFE];
	[sflag:s23] =	ssyncadd.s32 $0xFFFFFFFF  }
0xa5: {  	s26 =	simm.s32 $execute0_lowered;
	[smem:$0x3FD2] =	sst s25  }
0xa6: {  	s5 =	sshll.u32 s26, $0x1;
	_ =	strace $0x80000049;
	[dreg:$0x1] =	wrdreg $0xFFFFFFFF  }
0xa7: {  	s28 =	simm.s32 $_size_execute0_lowered;
	s3 =	sadd.s32 s3, s5;
	[dreg:$0x0] =	wrdreg $0x0  }
0xa8: {  	s5 =	sshll.u32 s28, $0x1;
	[dreg:$0x2] =	wrdreg s3  }
0xa9: {  	[dreg:$0x3] =	wrdreg s5  }
0xaa: {  	[dreg:$0x4] =	wrdreg $0xC0  }
0xab: {  	_ =	task [dreg:s7], $0x5FFFF  }
0xac: {  	[dreg:$0x1] =	wrdreg $0xFFFFFFFF  }
0xad: {  	[dreg:$0x0] =	wrdreg $0x60  }
0xae: {  	[dreg:$0x2] =	wrdreg s24  }
0xaf: {  	[dreg:$0x3] =	wrdreg s2  }
0xb0: {  	[dreg:$0x4] =	wrdreg $0xC0000  }
0xb1: {  	[dreg:$0x5] =	wrdreg $0x9  }
0xb2: {  	_ =	task.clear_ibuf [dreg:s7], $0x6FFFF;
	_ =	strace $0x90000049  }
0xb3: {  	s29 =	simm.s32 $0x9;
	_ =	strace $0x8000004B  }
0xb4: {  	_ =	swait.ge [sflag:s29], $0x1  }
0xb5: {  	[sflag:s29] =	ssyncadd.s32 $0xFFFFFFFF  }
0xb6: {  	_ =	strace $0x9000004B  }
0xb7: {  	_ =	sfence  }
0xb8: {  	s30 =	sld [smem:$0x0];
	_ =	sdelay $0x2  }
0xb9: {  	s31 =	sshll.u32 s1, $0xD;
	s1 =	sshrl.u32 s1, $0x2  }
0xba: {  	s3 =	sand.u32 $0x4000, s31;
	s1 =	sadd.s32 s1, s30  }
0xbb: {  	s0 =	sor.u32 s3, s0;
	s1 =	sshll.u32 s1, $0x11  }
0xbc: {  	s0 =	sor.u32 s1, s0  }
0xbd: {  	s0 =	sadd.s32 $0x8F2B, s0  }
0xbe: {  	[sflag:s0] =	ssyncadd.remote.s32 $0x1  }
0xbf: {  	_ =	sfence.sel $0xFFFF  }
0xc0: {  	[dreg:$0x0] =	wrdreg $0xFFFFFFFF;
	(pc) =	sbr.abs _section_cstart, $3  }
0xc1: {  	[dreg:$0x1] =	wrdreg $0xFFFFFFFF  }
0xc2: {  	_ =	task.clear_ibuf [dreg:s7], $0x2FFFF;
	_ =	strace $0x9FFFFFFF  }
0xc3: {  	(tm) =	ssettm $0x7FFFFFFF  }
tec
execute0_lowered:
.L_overlay_start_1:
0x0: {  	(tag) =	ssettag $0x1  }
0x1: {  	s7 =	rddreg [dreg:$0x0]  }
0x2: {  	s1 =	rddreg [dreg:$0x1]  }
0x3: {  	s2 =	rddreg [dreg:$0x2];
	s3 =	srdreg.scid  }
0x4: {  	s0 =	rddreg [dreg:$0x3];
	s4 =	simm.s32 $0x0;
	s15 =	simm.s32 $0x60  }
0x5: {  	s16 =	simm.s32 $0x3000;
	s17 =	simm.s32 $0x80;
	s18 =	simm.s32 $0x6000  }
0x6: {  	s19 =	simm.s32 $0x1;
	s20 =	simm.s32 $0x9000;
	s21 =	simm.s32 $0x2  }
0x7: {  	s22 =	simm.s32 $0x3;
	s23 =	simm.s32 $0x1480;
	s8 =	sand.u32 $0x1, s3  }
0x8: {  	s24 =	simm.s32 $0x2B80;
	s3 =	stileid.u32;
	s9 =	smul.u32 $0x2800, s8  }
0x9: {  	s25 =	simm.s32 $0x2C00;
	[smem:$0x7FF] =	sst s4;
	s10 =	smul.u32 $0x280, s3  }
0xa: {  	s5 =	sadd.s32 $0x2B000, s7;
	s6 =	sadd.s32 $0xD000, s7;
	s12 =	smul.u32 $0x50000, s3  }
0xb: {  	_ =	strace $0x8000004A;
	s26 =	ssub.s32 $0x2, s8;
	s28 =	smul.u32 $0x78000, s8  }
0xc: {  	s30 =	sshll.u32 s3, $0x6;
	s31 =	smul.u32 $0x7800, s3;
	s11 =	sshrl.u32 s26, $0x1  }
0xd: {  	s8 =	sor.u32 $0x1C04, s30;
	s9 =	sadd.s32 s10, s9;
	s11 =	ssub.s32 s26, s11  }
0xe: {  	s29 =	sshrl.u32 s12, $0x2;
	s26 =	simm.s32 $0x2C80;
	s9 =	sshll.u32 s9, $0x4  }
0xf: {  	s14 =	sadd.s32 s29, s2;
	s11 =	smax.u32 s11, $0x1;
	s13 =	sadd.s32 s9, s7  }
0x10: {  	s7 =	sadd.s32 s5, s9;
	s9 =	sadd.s32 s31, s28;
	s12 =	sshrl.u32 s14, $0x3  }
0x11: {  	s14 =	simm.s32 $0x1800;
	s10 =	sadd.s32 $0x7B000, s13;
	s13 =	simm.s32 $0x4  }
.LBB2_1:
0x12: {  	[spmem:s12], [sflag:s8] =	dma.local [hbm:s7], $0x2800  }
0x13: {  	_ =	swait.ge [sflag:s13], $0x2800  }
0x14: {  	[sflag:s13] =	ssyncset.done $0x0  }
0x15: {  	[sflag:s13] =	ssyncadd.s32 $0xFFFFD800  }
0x16: {  	s28 =	simm.s32 $0x0;
	[bflag:$0x0] =	sbarrier.arrive $0xFFFF  }
.LBB2_2:
0x17: {  	s29 =	smul.u32 $0x1800, s28;
	_ =	sdelay $0x1  }
0x18: {  	s29 =	sadd.s32 s29, s9  }
0x19: {  	s29 =	sshrl.u32 s29, $0x3  }
0x1a: {  	s31 =	simm.s32 $0x0;
	s30 =	sadd.s32 s1, s29  }
0x1b: {  	[tilespmem:s31], [sflag:$0x4] =	stream.linear.gather [hbm4b:s30+s31], $0x1500, $0x38;
	v63 =	vld [tilespmem:$0x0]  }
0x1c: {  	_ =	swait.ge [sflag:s13], $0x1500  }
0x1d: {  	[sflag:s13] =	ssyncset.done $0x0  }
0x1e: {  	s29 =	sadd.s32 s6, s29;
	[sflag:s13] =	ssyncadd.s32 $0xFFFFEB00  }
0x1f: {  	[tilespmem:s14], [sflag:$0x4] =	stream.linear.gather [hbm4b:s29+s31], $0x1500, $0x38;
	v63 =	vld [tilespmem:$0x0]  }
0x20: {  	_ =	swait.ge [sflag:s13], $0x1500  }
0x21: {  	[sflag:s13] =	ssyncset.done $0x0  }
0x22: {  	[sflag:s13] =	ssyncadd.s32 $0xFFFFEB00  }
0x23: {  	[tilespmem:s16], [sflag:$0x1] =	stream.indirect.gather [hbm4b:s5+s15], $0x80, s31, s15, $0xb8;
	v63 =	vld [tilespmem:$0x0]  }
0x24: {  	_ = 	snop  }
0x25: {  	[tilespmem:s18], [sflag:$0x2] =	stream.indirect.gather [hbm4b:s5+s15], $0x80, s17, s15, $0xb8;
	v63 =	vld [tilespmem:$0x0]  }
0x26: {  	_ =	swait.ge [sflag:s19], $0x3000  }
0x27: {  	[sflag:s19] =	ssyncset.done $0x0  }
0x28: {  	s29 =	simm.s32 $0x100;
	[sflag:s19] =	ssyncadd.s32 $0xFFFFD000  }
0x29: {  	[tilespmem:s20], [sflag:$0x3] =	stream.indirect.gather [hbm4b:s5+s15], $0x80, s29, s15, $0xb8;
	v63 =	vld [tilespmem:$0x0]  }
0x2a: {  	s29 =	simm.s32 $0x1800  }
0x2b: {  	[spmem:s2] =	stream.indirect.scatter.add.f32 [tilespmem:s16], [sflag:$0x4], $0x80, s29, s15, $0xb8;
	v63 =	vld [tilespmem:$0x0]  }
0x2c: {  	_ =	swait.ge [sflag:s13], $0x3000  }
0x2d: {  	[sflag:s13] =	ssyncset.done $0x0  }
0x2e: {  	[sflag:s13] =	ssyncadd.s32 $0xFFFFD000  }
0x2f: {  	_ =	swait.ge [sflag:s21], $0x3000  }
0x30: {  	[sflag:s21] =	ssyncset.done $0x0  }
0x31: {  	s29 =	simm.s32 $0x180;
	[sflag:s21] =	ssyncadd.s32 $0xFFFFD000  }
0x32: {  	[tilespmem:s16], [sflag:$0x1] =	stream.indirect.gather [hbm4b:s5+s15], $0x80, s29, s15, $0xb8;
	v63 =	vld [tilespmem:$0x0]  }
0x33: {  	s29 =	simm.s32 $0x1880  }
0x34: {  	[spmem:s2] =	stream.indirect.scatter.add.f32 [tilespmem:s18], [sflag:$0x4], $0x80, s29, s15, $0xb8;
	v63 =	vld [tilespmem:$0x0]  }
0x35: {  	_ =	swait.ge [sflag:s13], $0x3000  }
0x36: {  	[sflag:s13] =	ssyncset.done $0x0  }
0x37: {  	[sflag:s13] =	ssyncadd.s32 $0xFFFFD000  }
0x38: {  	_ =	swait.ge [sflag:s22], $0x3000  }
0x39: {  	[sflag:s22] =	ssyncset.done $0x0  }
0x3a: {  	s29 =	simm.s32 $0x200;
	[sflag:s22] =	ssyncadd.s32 $0xFFFFD000  }
0x3b: {  	[tilespmem:s18], [sflag:$0x2] =	stream.indirect.gather [hbm4b:s5+s15], $0x80, s29, s15, $0xb8;
	v63 =	vld [tilespmem:$0x0]  }
0x3c: {  	s29 =	simm.s32 $0x1900  }
0x3d: {  	[spmem:s2] =	stream.indirect.scatter.add.f32 [tilespmem:s20], [sflag:$0x4], $0x80, s29, s15, $0xb8;
	v63 =	vld [tilespmem:$0x0]  }
0x3e: {  	_ =	swait.ge [sflag:s13], $0x3000  }
0x3f: {  	s29 =	simm.s32 $0x600;
	[sflag:s13] =	ssyncset.done $0x0  }
.LBB2_3:
0x40: {  	p0 =	sne.s32 s29, $0x4800  }
0x41: {  	[sflag:s13] =	ssyncadd.s32 $0xFFFFD000;
	s30 =	smov.u32 s29;
	s29 =	sadd.s32 $0x600, s29  }
0x42: {  	_ = 	snop  }
0x43: {  	_ =	swait.ge [sflag:s19], $0x3000  }
0x44: {  	s30 =	sshra.s32 s30, $0x2;
	[sflag:s19] =	ssyncset.done $0x0  }
0x45: {  	s31 =	sadd.s32 $0x100, s30;
	[sflag:s19] =	ssyncadd.s32 $0xFFFFD000  }
0x46: {  	[tilespmem:s20], [sflag:$0x3] =	stream.indirect.gather [hbm4b:s5+s15], $0x80, s31, s15, $0xb8;
	v63 =	vld [tilespmem:$0x0]  }
0x47: {  	s31 =	sadd.s32 $0x1800, s30  }
0x48: {  	[spmem:s2] =	stream.indirect.scatter.add.f32 [tilespmem:s16], [sflag:$0x4], $0x80, s31, s15, $0xb8;
	v63 =	vld [tilespmem:$0x0]  }
0x49: {  	_ =	swait.ge [sflag:s13], $0x3000  }
0x4a: {  	[sflag:s13] =	ssyncset.done $0x0  }
0x4b: {  	[sflag:s13] =	ssyncadd.s32 $0xFFFFD000  }
0x4c: {  	_ =	swait.ge [sflag:s21], $0x3000  }
0x4d: {  	[sflag:s21] =	ssyncset.done $0x0  }
0x4e: {  	s31 =	sadd.s32 $0x180, s30;
	[sflag:s21] =	ssyncadd.s32 $0xFFFFD000  }
0x4f: {  	[tilespmem:s16], [sflag:$0x1] =	stream.indirect.gather [hbm4b:s5+s15], $0x80, s31, s15, $0xb8;
	v63 =	vld [tilespmem:$0x0]  }
0x50: {  	s31 =	sadd.s32 $0x1880, s30  }
0x51: {  	[spmem:s2] =	stream.indirect.scatter.add.f32 [tilespmem:s18], [sflag:$0x4], $0x80, s31, s15, $0xb8;
	v63 =	vld [tilespmem:$0x0]  }
0x52: {  	_ =	swait.ge [sflag:s13], $0x3000  }
0x53: {  	[sflag:s13] =	ssyncset.done $0x0  }
0x54: {  	[sflag:s13] =	ssyncadd.s32 $0xFFFFD000  }
0x55: {  	_ =	swait.ge [sflag:s22], $0x3000  }
0x56: {  	[sflag:s22] =	ssyncset.done $0x0  }
0x57: {  	s31 =	sadd.s32 $0x200, s30;
	[sflag:s22] =	ssyncadd.s32 $0xFFFFD000  }
0x58: {  	[tilespmem:s18], [sflag:$0x2] =	stream.indirect.gather [hbm4b:s5+s15], $0x80, s31, s15, $0xb8;
	v63 =	vld [tilespmem:$0x0]  }
.Ltmp0:
0x59: {  	_ = 	snop;
	(pc) =	sbr.rel @p0 .LBB2_3-.Ltmp0, $4  }
0x5a: {  	s30 =	sadd.s32 $0x1900, s30  }
0x5b: {  	[spmem:s2] =	stream.indirect.scatter.add.f32 [tilespmem:s20], [sflag:$0x4], $0x80, s30, s15, $0xb8;
	v63 =	vld [tilespmem:$0x0]  }
0x5c: {  	_ =	swait.ge [sflag:s13], $0x3000  }
0x5d: {  	[sflag:s13] =	ssyncset.done $0x0  }
0x5e: {  	[sflag:s13] =	ssyncadd.s32 $0xFFFFD000  }
0x5f: {  	_ =	swait.ge [sflag:s19], $0x3000  }
0x60: {  	[sflag:s19] =	ssyncset.done $0x0  }
0x61: {  	[sflag:s19] =	ssyncadd.s32 $0xFFFFD000  }
0x62: {  	[tilespmem:s20], [sflag:$0x3] =	stream.indirect.gather [hbm4b:s5+s15], $0x80, s23, s15, $0xb8;
	v63 =	vld [tilespmem:$0x0]  }
0x63: {  	_ = 	snop  }
0x64: {  	[spmem:s2] =	stream.indirect.scatter.add.f32 [tilespmem:s16], [sflag:$0x4], $0x80, s24, s15, $0xb8;
	v63 =	vld [tilespmem:$0x0]  }
0x65: {  	_ =	swait.ge [sflag:s13], $0x3000  }
0x66: {  	[sflag:s13] =	ssyncset.done $0x0  }
0x67: {  	[sflag:s13] =	ssyncadd.s32 $0xFFFFD000  }
0x68: {  	_ =	swait.ge [sflag:s21], $0x3000  }
0x69: {  	[sflag:s21] =	ssyncset.done $0x0  }
0x6a: {  	[sflag:s21] =	ssyncadd.s32 $0xFFFFD000  }
0x6b: {  	[spmem:s2] =	stream.indirect.scatter.add.f32 [tilespmem:s18], [sflag:$0x4], $0x80, s25, s15, $0xb8;
	v63 =	vld [tilespmem:$0x0]  }
0x6c: {  	_ =	swait.ge [sflag:s13], $0x3000  }
0x6d: {  	[sflag:s13] =	ssyncset.done $0x0  }
0x6e: {  	[sflag:s13] =	ssyncadd.s32 $0xFFFFD000  }
0x6f: {  	s28 =	sadd.s32 $0x1, s28;
	_ =	swait.ge [sflag:s22], $0x3000  }
0x70: {  	p0 =	sne.s32 s28, $0x5;
	[sflag:s22] =	ssyncset.done $0x0  }
.Ltmp1:
0x71: {  	[sflag:s22] =	ssyncadd.s32 $0xFFFFD000;
	(pc) =	sbr.rel @p0 .LBB2_2-.Ltmp1, $4  }
0x72: {  	[spmem:s2] =	stream.indirect.scatter.add.f32 [tilespmem:s20], [sflag:$0x4], $0x80, s26, s15, $0xb8;
	v63 =	vld [tilespmem:$0x0]  }
0x73: {  	_ =	swait.ge [sflag:s13], $0x3000  }
0x74: {  	[sflag:s13] =	ssyncset.done $0x0  }
0x75: {  	[sflag:s13] =	ssyncadd.s32 $0xFFFFD000  }
0x76: {  	s4 =	sadd.s32 $0x1, s4  }
0x77: {  	p0 =	sne.s32 s4, s11  }
.Ltmp2:
0x78: {  	[bflag:$0x0] =	sbarrier.arrive $0xFFFF;
	(pc) =	sbr.rel @p0 .LBB2_1-.Ltmp2, $4  }
0x79: {  	[hbm:s10], [sflag:s8] =	dma.local [spmem:s12], $0x2800  }
0x7a: {  	_ =	swait.ge [sflag:s13], $0x2800  }
0x7b: {  	[sflag:s13] =	ssyncset.done $0x0  }
0x7c: {  	[sflag:s13] =	ssyncadd.s32 $0xFFFFD800  }
0x7d: {  	_ =	sfence.sel $0x180000  }
0x7e: {  	[bflag:$0x0] =	sbarrier.arrive $0xFFFF  }
0x7f: {  	p0 =	sne.s32 s3, $0x0;
	_ =	strace $0x9000004A  }
0x80: {  	s0 =	sadd.s32 @!p0 $0x100000, s0;
	[bflag:$0x2] =	sbarrier.arrive $0xFFFF  }
0x81: {  	[sflag:s0] =	ssyncadd.tile.s32 @!p0 $0x1;
	_ =	shalt  }
.Lfunc_end2:
_tile_overlayer_lowered:
.L_overlay_start_2:
0x82: {  	(tag) =	ssettag $0x2  }
0x83: {  	s0 =	rddreg [dreg:$0x0];
	s2 =	stileid.u32  }
0x84: {  	s1 =	rddreg [dreg:$0x1];
	p0 =	sne.s32 s2, $0x0  }
0x85: {  	s3 =	rddreg [dreg:$0x2];
	[bflag:$0x3] =	sbarrier.arrive $0xFFFF;
	s2 =	simm.s32 @!p0 $0x1C04  }
0x86: {  	[timem:s3], [sflag:s2] =	dma.local @!p0 [hbm:s0], s1  }
0x87: {  	s0 =	simm.s32 @!p0 $0x4  }
0x88: {  	_ =	swait.ge @!p0 [sflag:s0], s1  }
0x89: {  	s1 =	ssub.s32 @!p0 $0x0, s1;
	[sflag:s0] =	ssyncset.done @!p0 $0x0  }
0x8a: {  	[sflag:s0] =	ssyncadd.s32 @!p0 s1  }
0x8b: {  	[bflag:$0x3] =	sbarrier.arrive $0xFFFF  }
0x8c: {  	_ =	shalt  }

// kernel: kernel.14.cloned.1.call-start
scs
__scs_entry_jumppad:
0x0: {  	(pc) =	sbr.rel $0x88, $3  }
0x1: {  	(tag) =	ssettag $0x0;
	lr =	simm.s32 $0x1  }
0x2: {  	[smem:$0x3F9B] =	sst lr;
	_ =	strace $0xD0000000  }
0x3: {  	_ = 	snop  }
0x4: {  	_ = 	snop  }
0x5: {  	_ = 	snop  }
0x6: {  	_ = 	snop  }
0x7: {  	_ = 	snop  }
__scs_overlays_trampoline_lowered:
0x8: {  	[smem:$0x3FAA] =	sst s0  }
0x9: {  	[smem:$0x3FAB] =	sst s1  }
0xa: {  	[smem:$0x3FAC] =	sst s2  }
0xb: {  	[smem:$0x3FAD] =	sst s3  }
0xc: {  	[smem:$0x3FAE] =	sst s4  }
0xd: {  	[smem:$0x3FAF] =	sst s5  }
0xe: {  	[smem:$0x3FB0] =	sst s6  }
0xf: {  	[smem:$0x3FB1] =	sst s7  }
0x10: {  	[smem:$0x3FB2] =	sst s8  }
0x11: {  	[smem:$0x3FB3] =	sst s9;
	s0 =	simm.s32 @!p0 $0x0  }
0x12: {  	s1 =	sld [smem:$0x3F99];
	s0 =	simm.s32 @p0 $0x1  }
0x13: {  	[smem:$0x3FB4] =	sst s0;
	s0 =	simm.s32 @!p1 $0x0  }
0x14: {  	s2 =	sld [smem:$0x3F98];
	s0 =	simm.s32 @p1 $0x1  }
0x15: {  	[smem:$0x3FB5] =	sst s0;
	s0 =	simm.s32 @!p2 $0x0  }
0x16: {  	s3 =	sld [smem:$0x3FDB];
	s0 =	simm.s32 @p2 $0x1  }
0x17: {  	s4 =	simm.s32 $0x1BF5;
	[smem:$0x3FB7] =	sst s0  }
0x18: {  	s0 =	sld [smem:$0x3F9A];
	_ =	swait.ge [sflag:s4], $0x0  }
0x19: {  	s7 =	sld [smem:$0x3F9B]  }
0x1a: {  	s8 =	sadd.s32 $0xFFFFE003, lr  }
0x1b: {  	s9 =	sadd.s32 $0xFFFFFEF7, lr;
	s5 =	simm.s32 $0xFFFFFFFF;
	p2 =	slt.u32 s8, $0xFFFFF086  }
0x1c: {  	p1 =	slt.u32 s9, $0xF7A;
	s5 =	simm.s32 @!p2 $0x0  }
0x1d: {  	s5 =	simm.s32 @p1 $0x1;
	p0 =	seq.s32 s7, s2  }
0x1e: {  	s7 =	smul.u32 @!p0 $0xF7A, s2;
	p2 =	seq.s32 @!p0 s5, $0x0  }
0x1f: {  	s9 =	smul.u32 $0xF7A, s1;
	s8 =	simm.s32 @!p0 $0x1BF5;
	p2 =	por !p2, p0  }
0x20: {  	[sflag:s8] =	ssyncset.s32 @!p0 $0xFFFFF086;
	s6 =	sadd.s32 @!p0 s3, s7;
	s7 =	simm.s32 @!p0 $0x108  }
0x21: {  	s3 =	sadd.s32 s3, s9;
	s6 =	sadd.s32 @!p0 $0x88, s6;
	s7 =	simm.s32 @p2 $0x1082  }
0x22: {  	[simem:s7], [sflag:s8] =	dma.local @!p0 [hbm:s6], $0xF7A  }
0x23: {  	s9 =	sor.u32 $0xD0000000, s2;
	s6 =	simm.s32 $0x108;
	_ =	swait.ge @!p0 [sflag:s8], $0x0  }
0x24: {  	s3 =	sadd.s32 $0x88, s3;
	s6 =	simm.s32 @!p1 $0x1082;
	[sflag:s4] =	ssyncset.s32 $0xFFFFF086  }
0x25: {  	[simem:s6], [sflag:s4] =	dma.local [hbm:s3], $0xF7A  }
0x26: {  	[smem:$0x3F9B] =	sst s1;
	(tag) =	ssettag s2;
	_ =	strace s9  }
0x27: {  	s1 =	sld [smem:$0x3FAB]  }
0x28: {  	s2 =	sld [smem:$0x3FAC]  }
0x29: {  	s4 =	sld [smem:$0x3FAE]  }
0x2a: {  	p0 =	seq.s32 s5, $0x0;
	s5 =	sld [smem:$0x3FAF]  }
0x2b: {  	s6 =	sld [smem:$0x3FB0]  }
0x2c: {  	s7 =	sld [smem:$0x3FB1]  }
0x2d: {  	s3 =	simm.s32 $0x108;
	s8 =	sld [smem:$0x3FB2]  }
0x2e: {  	s3 =	simm.s32 @!p0 $0x1082;
	s9 =	sld [smem:$0x3FB3]  }
0x2f: {  	lr =	sadd.s32 s0, s3;
	s0 =	sld [smem:$0x3FAA]  }
0x30: {  	s3 =	sld [smem:$0x3FAD]  }
0x31: {  	[smem:$0x3FB6] =	sst s10  }
0x32: {  	s10 =	sld [smem:$0x3FB4];
	_ =	sdelay $0x3  }
0x33: {  	p0 =	seq.s32 s10, $0x1;
	s10 =	sld [smem:$0x3FB6];
	_ =	sdelay $0x3  }
0x34: {  	[smem:$0x3FB6] =	sst s10  }
0x35: {  	s10 =	sld [smem:$0x3FB5];
	_ =	sdelay $0x3  }
0x36: {  	p1 =	seq.s32 s10, $0x1;
	s10 =	sld [smem:$0x3FB6];
	_ =	sdelay $0x3  }
0x37: {  	[smem:$0x3FB6] =	sst s10  }
0x38: {  	s10 =	sld [smem:$0x3FB7]  }
0x39: {  	_ = 	snop;
	(pc) =	sbr.ind lr, $3  }
0x3a: {  	_ = 	snop  }
0x3b: {  	_ = 	snop  }
0x3c: {  	p2 =	seq.s32 s10, $0x1;
	s10 =	sld [smem:$0x3FB6]  }
0x3d: {  	_ =	shalt  }
0x3e: {  	_ =	shalt  }
0x3f: {  	_ =	shalt  }
0x40: {  	_ =	shalt  }
0x41: {  	_ =	shalt  }
0x42: {  	_ =	shalt  }
0x43: {  	_ =	shalt  }
0x44: {  	_ =	shalt  }
0x45: {  	_ =	shalt  }
0x46: {  	_ =	shalt  }
0x47: {  	_ =	shalt  }
0x48: {  	_ =	shalt  }
0x49: {  	_ =	shalt  }
0x4a: {  	_ =	shalt  }
0x4b: {  	_ =	shalt  }
0x4c: {  	_ =	shalt  }
0x4d: {  	_ =	shalt  }
0x4e: {  	_ =	shalt  }
0x4f: {  	_ =	shalt  }
0x50: {  	_ =	shalt  }
0x51: {  	_ =	shalt  }
0x52: {  	_ =	shalt  }
0x53: {  	_ =	shalt  }
0x54: {  	_ =	shalt  }
0x55: {  	_ =	shalt  }
0x56: {  	_ =	shalt  }
0x57: {  	_ =	shalt  }
0x58: {  	_ =	shalt  }
0x59: {  	_ =	shalt  }
0x5a: {  	_ =	shalt  }
0x5b: {  	_ =	shalt  }
0x5c: {  	_ =	shalt  }
0x5d: {  	_ =	shalt  }
0x5e: {  	_ =	shalt  }
0x5f: {  	_ =	shalt  }
0x60: {  	_ =	shalt  }
0x61: {  	_ =	shalt  }
0x62: {  	_ =	shalt  }
0x63: {  	_ =	shalt  }
0x64: {  	_ =	shalt  }
0x65: {  	_ =	shalt  }
0x66: {  	_ =	shalt  }
0x67: {  	_ =	shalt  }
0x68: {  	_ =	shalt  }
0x69: {  	_ =	shalt  }
0x6a: {  	_ =	shalt  }
0x6b: {  	_ =	shalt  }
0x6c: {  	_ =	shalt  }
0x6d: {  	_ =	shalt  }
0x6e: {  	_ =	shalt  }
0x6f: {  	_ =	shalt  }
0x70: {  	_ =	shalt  }
0x71: {  	_ =	shalt  }
0x72: {  	_ =	shalt  }
0x73: {  	_ =	shalt  }
0x74: {  	_ =	shalt  }
0x75: {  	_ =	shalt  }
0x76: {  	_ =	shalt  }
0x77: {  	_ =	shalt  }
0x78: {  	_ =	shalt  }
0x79: {  	_ =	shalt  }
0x7a: {  	_ =	shalt  }
0x7b: {  	_ =	shalt  }
0x7c: {  	_ =	shalt  }
0x7d: {  	_ =	shalt  }
0x7e: {  	_ =	shalt  }
0x7f: {  	_ =	shalt  }
0x80: {  	_ =	shalt  }
0x81: {  	_ =	shalt  }
0x82: {  	_ =	shalt  }
0x83: {  	_ =	shalt  }
0x84: {  	_ =	shalt  }
0x85: {  	_ =	shalt  }
0x86: {  	_ =	shalt  }
0x87: {  	_ =	shalt  }
.Lfunc_end0:
.L_simem_size_0:
called_computation.2_lowered:
.L_overlay_start_0:
0x88: {  	s2 =	sld [smem:$0x3FD9]  }
0x89: {  	s3 =	sld [smem:$0x3FFE];
	_ =	sdelay $0x1  }
0x8a: {  	s1 =	srdreg.scid  }
0x8b: {  	s0 =	sand.u32 $0x1, s1  }
0x8c: {  	s16 =	sshll.u32 s0, $0xA;
	s2 =	sadd.s32 s3, s2  }
0x8d: {  	s2 =	sadd.s32 s2, s16  }
0x8e: {  	[smem:$0x3FC2] =	sst s2  }
0x8f: {  	_ = 	snop  }
0x90: {  	(tm) =	ssettm $0x1  }
0x91: {  	s17 =	sld [smem:$0x3FFB];
	_ =	sdelay $0x3  }
0x92: {  	_ =	strace s17  }
0x93: {  	s2 =	sld [smem:$0x3FFC];
	_ =	sdelay $0x3  }
0x94: {  	_ =	strace s2  }
0x95: {  	s2 =	sld [smem:$0x3FFD];
	_ =	sdelay $0x3  }
0x96: {  	_ =	strace s2  }
0x97: {  	_ =	strace $0x8FFFFFFF  }
0x98: {  	s18 =	sld [smem:$0x3FDB];
	_ =	sdelay $0x1  }
0x99: {  	s19 =	simm.s32 $_scs_section_size  }
0x9a: {  	s4 =	simm.s32 $_size__tile_overlayer_lowered;
	s5 =	simm.s32 $_tile_overlayer_lowered  }
0x9b: {  	s22 =	simm.s32 $0x1BFF;
	s21 =	sshll.u32 s5, $0x1;
	s2 =	sadd.s32 s19, s18  }
0x9c: {  	s6 =	simm.s32 $0x0;
	s20 =	sshll.u32 s4, $0x1;
	s4 =	sadd.s32 s21, s2  }
0x9d: {  	[timem:s6], [sflag:s22] =	dma.local [hbm:s4], s20  }
0x9e: {  	_ =	swait.ge [sflag:s22], s20  }
0x9f: {  	s3 =	ssub.s32 $0x0, s20;
	[sflag:s22] =	ssyncset.done $0x0  }
0xa0: {  	[sflag:s22] =	ssyncadd.s32 s3;
	_ =	sdelay $0x1  }
0xa1: {  	s23 =	simm.s32 $0x1B8B  }
0xa2: {  	_ =	swait.ge [sflag:s23], $0x1  }
0xa3: {  	[sflag:s23] =	ssyncset.done $0x0  }
0xa4: {  	s25 =	simm.s32 $0x1B8E;
	s24 =	sld [smem:$0x3FFE];
	[sflag:s23] =	ssyncadd.s32 $0xFFFFFFFF  }
0xa5: {  	s26 =	simm.s32 $execute0_lowered;
	[smem:$0x3FD2] =	sst s25  }
0xa6: {  	s4 =	sshll.u32 s26, $0x1;
	_ =	strace $0x8000004C;
	[dreg:$0x1] =	wrdreg $0xFFFFFFFF  }
0xa7: {  	s28 =	simm.s32 $_size_execute0_lowered;
	s2 =	sadd.s32 s2, s4;
	[dreg:$0x0] =	wrdreg $0x0  }
0xa8: {  	s4 =	sshll.u32 s28, $0x1;
	[dreg:$0x2] =	wrdreg s2  }
0xa9: {  	[dreg:$0x3] =	wrdreg s4  }
0xaa: {  	[dreg:$0x4] =	wrdreg $0xC0  }
0xab: {  	_ =	task [dreg:s6], $0x5FFFF  }
0xac: {  	[dreg:$0x1] =	wrdreg $0xFFFFFFFF  }
0xad: {  	[dreg:$0x0] =	wrdreg $0x60  }
0xae: {  	[dreg:$0x2] =	wrdreg s24  }
0xaf: {  	[dreg:$0x3] =	wrdreg $0xA8000  }
0xb0: {  	[dreg:$0x4] =	wrdreg $0x9  }
0xb1: {  	_ =	task.clear_ibuf [dreg:s6], $0x5FFFF;
	_ =	strace $0x9000004C  }
0xb2: {  	s29 =	simm.s32 $0x9;
	_ =	strace $0x8000004E  }
0xb3: {  	_ =	swait.ge [sflag:s29], $0x1  }
0xb4: {  	[sflag:s29] =	ssyncadd.s32 $0xFFFFFFFF  }
0xb5: {  	_ =	strace $0x9000004E  }
0xb6: {  	_ =	sfence  }
0xb7: {  	s30 =	sld [smem:$0x0];
	_ =	sdelay $0x2  }
0xb8: {  	s31 =	sshll.u32 s1, $0xD;
	s1 =	sshrl.u32 s1, $0x2  }
0xb9: {  	s3 =	sand.u32 $0x4000, s31;
	s1 =	sadd.s32 s1, s30  }
0xba: {  	s0 =	sor.u32 s3, s0;
	s1 =	sshll.u32 s1, $0x11  }
0xbb: {  	s0 =	sor.u32 s1, s0  }
0xbc: {  	s0 =	sadd.s32 $0x8F2B, s0  }
0xbd: {  	[sflag:s0] =	ssyncadd.remote.s32 $0x1  }
0xbe: {  	_ =	sfence.sel $0xFFFF  }
0xbf: {  	[dreg:$0x0] =	wrdreg $0xFFFFFFFF;
	(pc) =	sbr.abs _section_cstart, $3  }
0xc0: {  	[dreg:$0x1] =	wrdreg $0xFFFFFFFF  }
0xc1: {  	_ =	task.clear_ibuf [dreg:s6], $0x2FFFF;
	_ =	strace $0x9FFFFFFF  }
0xc2: {  	(tm) =	ssettm $0x7FFFFFFF  }
0xc3: {  	_ =	shalt  }
tec
execute0_lowered:
.L_overlay_start_1:
0x0: {  	(tag) =	ssettag $0x1  }
0x1: {  	s0 =	srdreg.scid;
	s9 =	stileid.u32  }
0x2: {  	s0 =	sand.u32 $0x1, s0;
	s3 =	smul.u32 $0x3C00, s9  }
0x3: {  	s1 =	smul.u32 $0x3C000, s0  }
0x4: {  	s5 =	rddreg [dreg:$0x0]  }
0x5: {  	s2 =	rddreg [dreg:$0x1];
	s1 =	sadd.s32 s3, s1;
	s3 =	simm.s32 $0x0  }
0x6: {  	s18 =	simm.s32 $0x80;
	s19 =	simm.s32 $0x100;
	[smem:$0x7FF] =	sst s3  }
0x7: {  	s20 =	simm.s32 $0x180;
	_ =	strace $0x8000004D;
	[dreg:$0x5] =	wrdreg s18  }
0x8: {  	s21 =	simm.s32 $0xC80;
	s22 =	simm.s32 $0x200;
	[dreg:$0x6] =	wrdreg s19  }
0x9: {  	s23 =	simm.s32 $0xD00;
	s25 =	simm.s32 $0x280;
	[dreg:$0x7] =	wrdreg s20  }
0xa: {  	s26 =	simm.s32 $0xD80;
	s10 =	simm.s32 $0xE00;
	[dreg:$0x8] =	wrdreg s21  }
0xb: {  	s11 =	simm.s32 $0x380;
	s12 =	simm.s32 $0xE80;
	[dreg:$0x9] =	wrdreg s22  }
0xc: {  	s14 =	simm.s32 $0x400;
	s15 =	simm.s32 $0xF00;
	[dreg:$0xa] =	wrdreg s23  }
0xd: {  	s16 =	simm.s32 $0x480;
	s17 =	simm.s32 $0xF80;
	[dreg:$0xb] =	wrdreg s25  }
0xe: {  	s28 =	simm.s32 $0x1400;
	s29 =	simm.s32 $0x980;
	[dreg:$0xc] =	wrdreg s26  }
0xf: {  	s30 =	simm.s32 $0x1480;
	s31 =	simm.s32 $0xA00;
	[dreg:$0xe] =	wrdreg s10  }
0x10: {  	s7 =	smul.u32 $0x28000, s0;
	s0 =	ssub.s32 $0x2, s0;
	[dreg:$0xf] =	wrdreg s11  }
0x11: {  	s6 =	smul.u32 $0x2800, s9;
	s24 =	sshrl.u32 s0, $0x1;
	[dreg:$0x10] =	wrdreg s12  }
0x12: {  	s8 =	smul.u32 $0x50000, s9;
	s0 =	ssub.s32 s0, s24;
	[dreg:$0x11] =	wrdreg s14  }
0x13: {  	s13 =	sshll.u32 s9, $0x6;
	s0 =	smax.u32 s0, $0x1;
	[dreg:$0x12] =	wrdreg s15  }
0x14: {  	s9 =	simm.s32 $0x0;
	s8 =	sshrl.u32 s8, $0x2;
	[smem:$0x7FC] =	sst s0  }
0x15: {  	s7 =	sadd.s32 s6, s7;
	s1 =	sshrl.u32 s1, $0x3;
	[dreg:$0x13] =	wrdreg s16  }
0x16: {  	s24 =	simm.s32 $0x680;
	s1 =	sadd.s32 s1, s5;
	[dreg:$0x14] =	wrdreg s17  }
0x17: {  	s18 =	simm.s32 $0x500;
	s10 =	simm.s32 $0x4;
	s19 =	simm.s32 $0x1000  }
0x18: {  	s11 =	simm.s32 $0xC00;
	s20 =	simm.s32 $0x580;
	[dreg:$0x1b] =	wrdreg s24  }
0x19: {  	s12 =	simm.s32 $0x60;
	s21 =	simm.s32 $0x1080;
	[dreg:$0x15] =	wrdreg s18  }
0x1a: {  	s22 =	simm.s32 $0x600;
	s14 =	simm.s32 $0x4800;
	[dreg:$0x16] =	wrdreg s19  }
0x1b: {  	s23 =	simm.s32 $0x1100;
	s15 =	simm.s32 $0x1;
	[dreg:$0x17] =	wrdreg s20  }
0x1c: {  	s16 =	simm.s32 $0x7800;
	s25 =	simm.s32 $0x1180;
	[dreg:$0x18] =	wrdreg s21  }
0x1d: {  	s17 =	simm.s32 $0x2;
	s26 =	simm.s32 $0x700;
	[dreg:$0x19] =	wrdreg s22  }
0x1e: {  	s24 =	simm.s32 $0x880;
	s0 =	simm.s32 $0x1580;
	[dreg:$0x1a] =	wrdreg s23  }
0x1f: {  	s4 =	sadd.s32 $0xDA000, s1;
	s1 =	sadd.s32 $0xCB000, s1;
	[dreg:$0x1c] =	wrdreg s25  }
0x20: {  	s18 =	simm.s32 $0x3;
	[dreg:$0x1d] =	wrdreg s26;
	s19 =	simm.s32 $0x1200  }
0x21: {  	s20 =	simm.s32 $0x780;
	s21 =	simm.s32 $0x1280;
	[dreg:$0x3] =	wrdreg s4  }
0x22: {  	s22 =	simm.s32 $0x800;
	s23 =	simm.s32 $0x1300;
	[dreg:$0x4] =	wrdreg s1  }
0x23: {  	s4 =	sadd.s32 $0x2600, s5;
	s5 =	sadd.s32 s7, s5;
	s7 =	simm.s32 $0x300  }
0x24: {  	s25 =	simm.s32 $0x1380;
	[dreg:$0xd] =	wrdreg s7;
	s6 =	sadd.s32 s4, s6  }
0x25: {  	s26 =	simm.s32 $0x900;
	s5 =	sadd.s32 $0x2A600, s5;
	[dreg:$0x1e] =	wrdreg s6  }
0x26: {  	s7 =	sadd.s32 s8, s2;
	s8 =	sor.u32 $0x1C04, s13;
	[smem:$0x7FB] =	sst s5  }
0x27: {  	s1 =	simm.s32 $0x1500;
	s7 =	sshrl.u32 s7, $0x3;
	[dreg:$0x1f] =	wrdreg s8  }
0x28: {  	s13 =	simm.s32 $0x1800;
	s5 =	simm.s32 $0x1600;
	[smem:$0x7FD] =	sst s7  }
.LBB2_1:
0x29: {  	[smem:$0x7FA] =	sst s9  }
0x2a: {  	s6 =	rddreg [dreg:$0x1e]  }
0x2b: {  	[spmem:s7], [sflag:s8] =	dma.local [hbm:s6], $0x2800  }
0x2c: {  	_ =	swait.ge [sflag:s10], $0x2800  }
0x2d: {  	[sflag:s10] =	ssyncset.done $0x0  }
0x2e: {  	[sflag:s10] =	ssyncadd.s32 $0xFFFFD800  }
0x2f: {  	[bflag:$0x0] =	sbarrier.arrive $0xFFFF  }
0x30: {  	s8 =	rddreg [dreg:$0x4]  }
0x31: {  	s6 =	sadd.s32 $0x0, s8  }
0x32: {  	[tilespmem:s3], [sflag:$0x4] =	stream.linear.gather [hbm4b:s6+s3], $0xA80, $0x38;
	[tilespmem:$0x1E800] =	vst v63  }
0x33: {  	_ =	swait.ge [sflag:s10], $0xA80  }
0x34: {  	s9 =	rddreg [dreg:$0x3];
	[sflag:s10] =	ssyncset.done $0x0  }
0x35: {  	[sflag:s10] =	ssyncadd.s32 $0xFFFFF580;
	s6 =	sadd.s32 $0x0, s9  }
0x36: {  	[tilespmem:s11], [sflag:$0x4] =	stream.linear.gather [hbm4b:s6+s3], $0xA80, $0x38;
	[tilespmem:$0x1E800] =	vst v63  }
0x37: {  	_ =	swait.ge [sflag:s10], $0xA80  }
0x38: {  	[sflag:s10] =	ssyncset.done $0x0  }
0x39: {  	[sflag:s10] =	ssyncadd.s32 $0xFFFFF580  }
0x3a: {  	[tilespmem:s13], [sflag:$0x1] =	stream.indirect.gather [hbm4b:s4+s12], $0x80, s3, s12, $0xb8;
	[tilespmem:$0x1E800] =	vst v63  }
0x3b: {  	s7 =	rddreg [dreg:$0x5]  }
0x3c: {  	[tilespmem:s14], [sflag:$0x2] =	stream.indirect.gather [hbm4b:s4+s12], $0x80, s7, s12, $0xb8;
	[tilespmem:$0x1E800] =	vst v63  }
0x3d: {  	_ =	swait.ge [sflag:s15], $0x3000  }
0x3e: {  	[sflag:s15] =	ssyncset.done $0x0  }
0x3f: {  	s8 =	rddreg [dreg:$0x6];
	[sflag:s15] =	ssyncadd.s32 $0xFFFFD000  }
0x40: {  	[tilespmem:s16], [sflag:$0x3] =	stream.indirect.gather [hbm4b:s4+s12], $0x80, s8, s12, $0xb8;
	[tilespmem:$0x1E800] =	vst v63  }
0x41: {  	_ = 	snop  }
0x42: {  	[spmem:s2] =	stream.indirect.scatter.add.f32 [tilespmem:s13], [sflag:$0x4], $0x80, s11, s12, $0xb8;
	[tilespmem:$0x1E800] =	vst v63  }
0x43: {  	_ =	swait.ge [sflag:s10], $0x3000  }
0x44: {  	[sflag:s10] =	ssyncset.done $0x0  }
0x45: {  	[sflag:s10] =	ssyncadd.s32 $0xFFFFD000  }
0x46: {  	_ =	swait.ge [sflag:s17], $0x3000  }
0x47: {  	[sflag:s17] =	ssyncset.done $0x0  }
0x48: {  	s9 =	rddreg [dreg:$0x7];
	[sflag:s17] =	ssyncadd.s32 $0xFFFFD000  }
0x49: {  	[tilespmem:s13], [sflag:$0x1] =	stream.indirect.gather [hbm4b:s4+s12], $0x80, s9, s12, $0xb8;
	[tilespmem:$0x1E800] =	vst v63  }
0x4a: {  	s7 =	rddreg [dreg:$0x8]  }
0x4b: {  	[spmem:s2] =	stream.indirect.scatter.add.f32 [tilespmem:s14], [sflag:$0x4], $0x80, s7, s12, $0xb8;
	[tilespmem:$0x1E800] =	vst v63  }
0x4c: {  	_ =	swait.ge [sflag:s10], $0x3000  }
0x4d: {  	[sflag:s10] =	ssyncset.done $0x0  }
0x4e: {  	[sflag:s10] =	ssyncadd.s32 $0xFFFFD000  }
0x4f: {  	_ =	swait.ge [sflag:s18], $0x3000  }
0x50: {  	[sflag:s18] =	ssyncset.done $0x0  }
0x51: {  	s9 =	rddreg [dreg:$0x9];
	[sflag:s18] =	ssyncadd.s32 $0xFFFFD000  }
0x52: {  	[tilespmem:s14], [sflag:$0x2] =	stream.indirect.gather [hbm4b:s4+s12], $0x80, s9, s12, $0xb8;
	[tilespmem:$0x1E800] =	vst v63  }
0x53: {  	s7 =	rddreg [dreg:$0xa]  }
0x54: {  	[spmem:s2] =	stream.indirect.scatter.add.f32 [tilespmem:s16], [sflag:$0x4], $0x80, s7, s12, $0xb8;
	[tilespmem:$0x1E800] =	vst v63  }
0x55: {  	_ =	swait.ge [sflag:s10], $0x3000  }
0x56: {  	[sflag:s10] =	ssyncset.done $0x0  }
0x57: {  	[sflag:s10] =	ssyncadd.s32 $0xFFFFD000  }
0x58: {  	_ =	swait.ge [sflag:s15], $0x3000  }
0x59: {  	[sflag:s15] =	ssyncset.done $0x0  }
0x5a: {  	s9 =	rddreg [dreg:$0xb];
	[sflag:s15] =	ssyncadd.s32 $0xFFFFD000  }
0x5b: {  	[tilespmem:s16], [sflag:$0x3] =	stream.indirect.gather [hbm4b:s4+s12], $0x80, s9, s12, $0xb8;
	[tilespmem:$0x1E800] =	vst v63  }
0x5c: {  	s7 =	rddreg [dreg:$0xc]  }
0x5d: {  	[spmem:s2] =	stream.indirect.scatter.add.f32 [tilespmem:s13], [sflag:$0x4], $0x80, s7, s12, $0xb8;
	[tilespmem:$0x1E800] =	vst v63  }
0x5e: {  	_ =	swait.ge [sflag:s10], $0x3000  }
0x5f: {  	[sflag:s10] =	ssyncset.done $0x0  }
0x60: {  	[sflag:s10] =	ssyncadd.s32 $0xFFFFD000  }
0x61: {  	_ =	swait.ge [sflag:s17], $0x3000  }
0x62: {  	[sflag:s17] =	ssyncset.done $0x0  }
0x63: {  	s9 =	rddreg [dreg:$0xd];
	[sflag:s17] =	ssyncadd.s32 $0xFFFFD000  }
0x64: {  	[tilespmem:s13], [sflag:$0x1] =	stream.indirect.gather [hbm4b:s4+s12], $0x80, s9, s12, $0xb8;
	[tilespmem:$0x1E800] =	vst v63  }
0x65: {  	s7 =	rddreg [dreg:$0xe]  }
0x66: {  	[spmem:s2] =	stream.indirect.scatter.add.f32 [tilespmem:s14], [sflag:$0x4], $0x80, s7, s12, $0xb8;
	[tilespmem:$0x1E800] =	vst v63  }
0x67: {  	_ =	swait.ge [sflag:s10], $0x3000  }
0x68: {  	[sflag:s10] =	ssyncset.done $0x0  }
0x69: {  	[sflag:s10] =	ssyncadd.s32 $0xFFFFD000  }
0x6a: {  	_ =	swait.ge [sflag:s18], $0x3000  }
0x6b: {  	[sflag:s18] =	ssyncset.done $0x0  }
0x6c: {  	s9 =	rddreg [dreg:$0xf];
	[sflag:s18] =	ssyncadd.s32 $0xFFFFD000  }
0x6d: {  	[tilespmem:s14], [sflag:$0x2] =	stream.indirect.gather [hbm4b:s4+s12], $0x80, s9, s12, $0xb8;
	[tilespmem:$0x1E800] =	vst v63  }
0x6e: {  	s7 =	rddreg [dreg:$0x10]  }
0x6f: {  	[spmem:s2] =	stream.indirect.scatter.add.f32 [tilespmem:s16], [sflag:$0x4], $0x80, s7, s12, $0xb8;
	[tilespmem:$0x1E800] =	vst v63  }
0x70: {  	_ =	swait.ge [sflag:s10], $0x3000  }
0x71: {  	[sflag:s10] =	ssyncset.done $0x0  }
0x72: {  	[sflag:s10] =	ssyncadd.s32 $0xFFFFD000  }
0x73: {  	_ =	swait.ge [sflag:s15], $0x3000  }
0x74: {  	[sflag:s15] =	ssyncset.done $0x0  }
0x75: {  	s9 =	rddreg [dreg:$0x11];
	[sflag:s15] =	ssyncadd.s32 $0xFFFFD000  }
0x76: {  	[tilespmem:s16], [sflag:$0x3] =	stream.indirect.gather [hbm4b:s4+s12], $0x80, s9, s12, $0xb8;
	[tilespmem:$0x1E800] =	vst v63  }
0x77: {  	s7 =	rddreg [dreg:$0x12]  }
0x78: {  	[spmem:s2] =	stream.indirect.scatter.add.f32 [tilespmem:s13], [sflag:$0x4], $0x80, s7, s12, $0xb8;
	[tilespmem:$0x1E800] =	vst v63  }
0x79: {  	_ =	swait.ge [sflag:s10], $0x3000  }
0x7a: {  	[sflag:s10] =	ssyncset.done $0x0  }
0x7b: {  	[sflag:s10] =	ssyncadd.s32 $0xFFFFD000  }
0x7c: {  	_ =	swait.ge [sflag:s17], $0x3000  }
0x7d: {  	[sflag:s17] =	ssyncset.done $0x0  }
0x7e: {  	s9 =	rddreg [dreg:$0x13];
	[sflag:s17] =	ssyncadd.s32 $0xFFFFD000  }
0x7f: {  	[tilespmem:s13], [sflag:$0x1] =	stream.indirect.gather [hbm4b:s4+s12], $0x80, s9, s12, $0xb8;
	[tilespmem:$0x1E800] =	vst v63  }
0x80: {  	s7 =	rddreg [dreg:$0x14]  }
0x81: {  	[spmem:s2] =	stream.indirect.scatter.add.f32 [tilespmem:s14], [sflag:$0x4], $0x80, s7, s12, $0xb8;
	[tilespmem:$0x1E800] =	vst v63  }
0x82: {  	_ =	swait.ge [sflag:s10], $0x3000  }
0x83: {  	[sflag:s10] =	ssyncset.done $0x0  }
0x84: {  	[sflag:s10] =	ssyncadd.s32 $0xFFFFD000  }
0x85: {  	_ =	swait.ge [sflag:s18], $0x3000  }
0x86: {  	[sflag:s18] =	ssyncset.done $0x0  }
0x87: {  	s9 =	rddreg [dreg:$0x15];
	[sflag:s18] =	ssyncadd.s32 $0xFFFFD000  }
0x88: {  	[tilespmem:s14], [sflag:$0x2] =	stream.indirect.gather [hbm4b:s4+s12], $0x80, s9, s12, $0xb8;
	[tilespmem:$0x1E800] =	vst v63  }
0x89: {  	s7 =	rddreg [dreg:$0x16]  }
0x8a: {  	[spmem:s2] =	stream.indirect.scatter.add.f32 [tilespmem:s16], [sflag:$0x4], $0x80, s7, s12, $0xb8;
	[tilespmem:$0x1E800] =	vst v63  }
0x8b: {  	_ =	swait.ge [sflag:s10], $0x3000  }
0x8c: {  	[sflag:s10] =	ssyncset.done $0x0  }
0x8d: {  	[sflag:s10] =	ssyncadd.s32 $0xFFFFD000  }
0x8e: {  	_ =	swait.ge [sflag:s15], $0x3000  }
0x8f: {  	[sflag:s15] =	ssyncset.done $0x0  }
0x90: {  	s9 =	rddreg [dreg:$0x17];
	[sflag:s15] =	ssyncadd.s32 $0xFFFFD000  }
0x91: {  	[tilespmem:s16], [sflag:$0x3] =	stream.indirect.gather [hbm4b:s4+s12], $0x80, s9, s12, $0xb8;
	[tilespmem:$0x1E800] =	vst v63  }
0x92: {  	s7 =	rddreg [dreg:$0x18]  }
0x93: {  	[spmem:s2] =	stream.indirect.scatter.add.f32 [tilespmem:s13], [sflag:$0x4], $0x80, s7, s12, $0xb8;
	[tilespmem:$0x1E800] =	vst v63  }
0x94: {  	_ =	swait.ge [sflag:s10], $0x3000  }
0x95: {  	[sflag:s10] =	ssyncset.done $0x0  }
0x96: {  	[sflag:s10] =	ssyncadd.s32 $0xFFFFD000  }
0x97: {  	_ =	swait.ge [sflag:s17], $0x3000  }
0x98: {  	[sflag:s17] =	ssyncset.done $0x0  }
0x99: {  	s9 =	rddreg [dreg:$0x19];
	[sflag:s17] =	ssyncadd.s32 $0xFFFFD000  }
0x9a: {  	[tilespmem:s13], [sflag:$0x1] =	stream.indirect.gather [hbm4b:s4+s12], $0x80, s9, s12, $0xb8;
	[tilespmem:$0x1E800] =	vst v63  }
0x9b: {  	s7 =	rddreg [dreg:$0x1a]  }
0x9c: {  	[spmem:s2] =	stream.indirect.scatter.add.f32 [tilespmem:s14], [sflag:$0x4], $0x80, s7, s12, $0xb8;
	[tilespmem:$0x1E800] =	vst v63  }
0x9d: {  	_ =	swait.ge [sflag:s10], $0x3000  }
0x9e: {  	[sflag:s10] =	ssyncset.done $0x0  }
0x9f: {  	[sflag:s10] =	ssyncadd.s32 $0xFFFFD000  }
0xa0: {  	_ =	swait.ge [sflag:s18], $0x3000  }
0xa1: {  	[sflag:s18] =	ssyncset.done $0x0  }
0xa2: {  	s9 =	rddreg [dreg:$0x1b];
	[sflag:s18] =	ssyncadd.s32 $0xFFFFD000  }
0xa3: {  	[tilespmem:s14], [sflag:$0x2] =	stream.indirect.gather [hbm4b:s4+s12], $0x80, s9, s12, $0xb8;
	[tilespmem:$0x1E800] =	vst v63  }
0xa4: {  	s7 =	rddreg [dreg:$0x1c]  }
0xa5: {  	[spmem:s2] =	stream.indirect.scatter.add.f32 [tilespmem:s16], [sflag:$0x4], $0x80, s7, s12, $0xb8;
	[tilespmem:$0x1E800] =	vst v63  }
0xa6: {  	_ =	swait.ge [sflag:s10], $0x3000  }
0xa7: {  	[sflag:s10] =	ssyncset.done $0x0  }
0xa8: {  	[sflag:s10] =	ssyncadd.s32 $0xFFFFD000  }
0xa9: {  	_ =	swait.ge [sflag:s15], $0x3000  }
0xaa: {  	[sflag:s15] =	ssyncset.done $0x0  }
0xab: {  	s9 =	rddreg [dreg:$0x1d];
	[sflag:s15] =	ssyncadd.s32 $0xFFFFD000  }
0xac: {  	[tilespmem:s16], [sflag:$0x3] =	stream.indirect.gather [hbm4b:s4+s12], $0x80, s9, s12, $0xb8;
	[tilespmem:$0x1E800] =	vst v63  }
0xad: {  	_ = 	snop  }
0xae: {  	[spmem:s2] =	stream.indirect.scatter.add.f32 [tilespmem:s13], [sflag:$0x4], $0x80, s19, s12, $0xb8;
	[tilespmem:$0x1E800] =	vst v63  }
0xaf: {  	_ =	swait.ge [sflag:s10], $0x3000  }
0xb0: {  	[sflag:s10] =	ssyncset.done $0x0  }
0xb1: {  	[sflag:s10] =	ssyncadd.s32 $0xFFFFD000  }
0xb2: {  	_ =	swait.ge [sflag:s17], $0x3000  }
0xb3: {  	[sflag:s17] =	ssyncset.done $0x0  }
0xb4: {  	[sflag:s17] =	ssyncadd.s32 $0xFFFFD000  }
0xb5: {  	[tilespmem:s13], [sflag:$0x1] =	stream.indirect.gather [hbm4b:s4+s12], $0x80, s20, s12, $0xb8;
	[tilespmem:$0x1E800] =	vst v63  }
0xb6: {  	_ = 	snop  }
0xb7: {  	[spmem:s2] =	stream.indirect.scatter.add.f32 [tilespmem:s14], [sflag:$0x4], $0x80, s21, s12, $0xb8;
	[tilespmem:$0x1E800] =	vst v63  }
0xb8: {  	_ =	swait.ge [sflag:s10], $0x3000  }
0xb9: {  	[sflag:s10] =	ssyncset.done $0x0  }
0xba: {  	[sflag:s10] =	ssyncadd.s32 $0xFFFFD000  }
0xbb: {  	_ =	swait.ge [sflag:s18], $0x3000  }
0xbc: {  	[sflag:s18] =	ssyncset.done $0x0  }
0xbd: {  	[sflag:s18] =	ssyncadd.s32 $0xFFFFD000  }
0xbe: {  	[tilespmem:s14], [sflag:$0x2] =	stream.indirect.gather [hbm4b:s4+s12], $0x80, s22, s12, $0xb8;
	[tilespmem:$0x1E800] =	vst v63  }
0xbf: {  	_ = 	snop  }
0xc0: {  	[spmem:s2] =	stream.indirect.scatter.add.f32 [tilespmem:s16], [sflag:$0x4], $0x80, s23, s12, $0xb8;
	[tilespmem:$0x1E800] =	vst v63  }
0xc1: {  	_ =	swait.ge [sflag:s10], $0x3000  }
0xc2: {  	[sflag:s10] =	ssyncset.done $0x0  }
0xc3: {  	[sflag:s10] =	ssyncadd.s32 $0xFFFFD000  }
0xc4: {  	_ =	swait.ge [sflag:s15], $0x3000  }
0xc5: {  	[sflag:s15] =	ssyncset.done $0x0  }
0xc6: {  	[sflag:s15] =	ssyncadd.s32 $0xFFFFD000  }
0xc7: {  	[tilespmem:s16], [sflag:$0x3] =	stream.indirect.gather [hbm4b:s4+s12], $0x80, s24, s12, $0xb8;
	[tilespmem:$0x1E800] =	vst v63  }
0xc8: {  	_ = 	snop  }
0xc9: {  	[spmem:s2] =	stream.indirect.scatter.add.f32 [tilespmem:s13], [sflag:$0x4], $0x80, s25, s12, $0xb8;
	[tilespmem:$0x1E800] =	vst v63  }
0xca: {  	_ =	swait.ge [sflag:s10], $0x3000  }
0xcb: {  	[sflag:s10] =	ssyncset.done $0x0  }
0xcc: {  	[sflag:s10] =	ssyncadd.s32 $0xFFFFD000  }
0xcd: {  	_ =	swait.ge [sflag:s17], $0x3000  }
0xce: {  	[sflag:s17] =	ssyncset.done $0x0  }
0xcf: {  	[sflag:s17] =	ssyncadd.s32 $0xFFFFD000  }
0xd0: {  	[tilespmem:s13], [sflag:$0x1] =	stream.indirect.gather [hbm4b:s4+s12], $0x80, s26, s12, $0xb8;
	[tilespmem:$0x1E800] =	vst v63  }
0xd1: {  	_ = 	snop  }
0xd2: {  	[spmem:s2] =	stream.indirect.scatter.add.f32 [tilespmem:s14], [sflag:$0x4], $0x80, s28, s12, $0xb8;
	[tilespmem:$0x1E800] =	vst v63  }
0xd3: {  	_ =	swait.ge [sflag:s10], $0x3000  }
0xd4: {  	[sflag:s10] =	ssyncset.done $0x0  }
0xd5: {  	[sflag:s10] =	ssyncadd.s32 $0xFFFFD000  }
0xd6: {  	_ =	swait.ge [sflag:s18], $0x3000  }
0xd7: {  	[sflag:s18] =	ssyncset.done $0x0  }
0xd8: {  	[sflag:s18] =	ssyncadd.s32 $0xFFFFD000  }
0xd9: {  	[tilespmem:s14], [sflag:$0x2] =	stream.indirect.gather [hbm4b:s4+s12], $0x80, s29, s12, $0xb8;
	[tilespmem:$0x1E800] =	vst v63  }
0xda: {  	_ = 	snop  }
0xdb: {  	[spmem:s2] =	stream.indirect.scatter.add.f32 [tilespmem:s16], [sflag:$0x4], $0x80, s30, s12, $0xb8;
	[tilespmem:$0x1E800] =	vst v63  }
0xdc: {  	_ =	swait.ge [sflag:s10], $0x3000  }
0xdd: {  	[sflag:s10] =	ssyncset.done $0x0  }
0xde: {  	[sflag:s10] =	ssyncadd.s32 $0xFFFFD000  }
0xdf: {  	_ =	swait.ge [sflag:s15], $0x3000  }
0xe0: {  	[sflag:s15] =	ssyncset.done $0x0  }
0xe1: {  	[sflag:s15] =	ssyncadd.s32 $0xFFFFD000  }
0xe2: {  	[tilespmem:s16], [sflag:$0x3] =	stream.indirect.gather [hbm4b:s4+s12], $0x80, s31, s12, $0xb8;
	[tilespmem:$0x1E800] =	vst v63  }
0xe3: {  	_ = 	snop  }
0xe4: {  	[spmem:s2] =	stream.indirect.scatter.add.f32 [tilespmem:s13], [sflag:$0x4], $0x80, s1, s12, $0xb8;
	[tilespmem:$0x1E800] =	vst v63  }
0xe5: {  	_ =	swait.ge [sflag:s10], $0x3000  }
0xe6: {  	[sflag:s10] =	ssyncset.done $0x0  }
0xe7: {  	[sflag:s10] =	ssyncadd.s32 $0xFFFFD000  }
0xe8: {  	_ =	swait.ge [sflag:s17], $0x3000  }
0xe9: {  	[sflag:s17] =	ssyncset.done $0x0  }
0xea: {  	[sflag:s17] =	ssyncadd.s32 $0xFFFFD000  }
0xeb: {  	[spmem:s2] =	stream.indirect.scatter.add.f32 [tilespmem:s14], [sflag:$0x4], $0x80, s0, s12, $0xb8;
	[tilespmem:$0x1E800] =	vst v63  }
0xec: {  	_ =	swait.ge [sflag:s10], $0x3000  }
0xed: {  	[sflag:s10] =	ssyncset.done $0x0  }
0xee: {  	[sflag:s10] =	ssyncadd.s32 $0xFFFFD000  }
0xef: {  	_ =	swait.ge [sflag:s18], $0x3000  }
0xf0: {  	[sflag:s18] =	ssyncset.done $0x0  }
0xf1: {  	[sflag:s18] =	ssyncadd.s32 $0xFFFFD000  }
0xf2: {  	[spmem:s2] =	stream.indirect.scatter.add.f32 [tilespmem:s16], [sflag:$0x4], $0x80, s5, s12, $0xb8;
	[tilespmem:$0x1E800] =	vst v63  }
0xf3: {  	s6 =	simm.s32 $0x300;
	_ =	swait.ge [sflag:s10], $0x3000  }
0xf4: {  	s8 =	simm.s32 $0x180;
	s9 =	rddreg [dreg:$0x4];
	[sflag:s10] =	ssyncset.done $0x0  }
.LBB2_2:
0xf5: {  	[sflag:s10] =	ssyncadd.s32 $0xFFFFD000;
	s9 =	sadd.s32 s8, s9  }
0xf6: {  	[tilespmem:s3], [sflag:$0x4] =	stream.linear.gather [hbm4b:s9+s3], $0xA80, $0x38;
	[tilespmem:$0x1E800] =	vst v63  }
0xf7: {  	_ =	swait.ge [sflag:s10], $0xA80  }
0xf8: {  	s9 =	rddreg [dreg:$0x3];
	[sflag:s10] =	ssyncset.done $0x0  }
0xf9: {  	[sflag:s10] =	ssyncadd.s32 $0xFFFFF580;
	s9 =	sadd.s32 s8, s9  }
0xfa: {  	[tilespmem:s11], [sflag:$0x4] =	stream.linear.gather [hbm4b:s9+s3], $0xA80, $0x38;
	[tilespmem:$0x1E800] =	vst v63  }
0xfb: {  	_ =	swait.ge [sflag:s10], $0xA80  }
0xfc: {  	[sflag:s10] =	ssyncset.done $0x0  }
0xfd: {  	[sflag:s10] =	ssyncadd.s32 $0xFFFFF580  }
0xfe: {  	[tilespmem:s13], [sflag:$0x1] =	stream.indirect.gather [hbm4b:s4+s12], $0x80, s3, s12, $0xb8;
	[tilespmem:$0x1E800] =	vst v63  }
0xff: {  	s9 =	rddreg [dreg:$0x5]  }
0x100: {  	[tilespmem:s14], [sflag:$0x2] =	stream.indirect.gather [hbm4b:s4+s12], $0x80, s9, s12, $0xb8;
	[tilespmem:$0x1E800] =	vst v63  }
0x101: {  	_ =	swait.ge [sflag:s15], $0x3000  }
0x102: {  	[sflag:s15] =	ssyncset.done $0x0  }
0x103: {  	s9 =	rddreg [dreg:$0x6];
	[sflag:s15] =	ssyncadd.s32 $0xFFFFD000  }
0x104: {  	[tilespmem:s16], [sflag:$0x3] =	stream.indirect.gather [hbm4b:s4+s12], $0x80, s9, s12, $0xb8;
	[tilespmem:$0x1E800] =	vst v63  }
0x105: {  	_ = 	snop  }
0x106: {  	[spmem:s2] =	stream.indirect.scatter.add.f32 [tilespmem:s13], [sflag:$0x4], $0x80, s11, s12, $0xb8;
	[tilespmem:$0x1E800] =	vst v63  }
0x107: {  	_ =	swait.ge [sflag:s10], $0x3000  }
0x108: {  	[sflag:s10] =	ssyncset.done $0x0  }
0x109: {  	[sflag:s10] =	ssyncadd.s32 $0xFFFFD000  }
0x10a: {  	_ =	swait.ge [sflag:s17], $0x3000  }
0x10b: {  	s7 =	smov.u32 s6;
	[sflag:s17] =	ssyncset.done $0x0  }
0x10c: {  	s8 =	smov.u32 s7;
	s7 =	rddreg [dreg:$0x7];
	[sflag:s17] =	ssyncadd.s32 $0xFFFFD000  }
0x10d: {  	[tilespmem:s13], [sflag:$0x1] =	stream.indirect.gather [hbm4b:s4+s12], $0x80, s7, s12, $0xb8;
	[tilespmem:$0x1E800] =	vst v63  }
0x10e: {  	s9 =	rddreg [dreg:$0x8]  }
0x10f: {  	[spmem:s2] =	stream.indirect.scatter.add.f32 [tilespmem:s14], [sflag:$0x4], $0x80, s9, s12, $0xb8;
	[tilespmem:$0x1E800] =	vst v63  }
0x110: {  	_ =	swait.ge [sflag:s10], $0x3000  }
0x111: {  	[sflag:s10] =	ssyncset.done $0x0  }
0x112: {  	[sflag:s10] =	ssyncadd.s32 $0xFFFFD000  }
0x113: {  	_ =	swait.ge [sflag:s18], $0x3000  }
0x114: {  	[sflag:s18] =	ssyncset.done $0x0  }
0x115: {  	s7 =	rddreg [dreg:$0x9];
	[sflag:s18] =	ssyncadd.s32 $0xFFFFD000  }
0x116: {  	[tilespmem:s14], [sflag:$0x2] =	stream.indirect.gather [hbm4b:s4+s12], $0x80, s7, s12, $0xb8;
	[tilespmem:$0x1E800] =	vst v63  }
0x117: {  	s9 =	rddreg [dreg:$0xa]  }
0x118: {  	[spmem:s2] =	stream.indirect.scatter.add.f32 [tilespmem:s16], [sflag:$0x4], $0x80, s9, s12, $0xb8;
	[tilespmem:$0x1E800] =	vst v63  }
0x119: {  	_ =	swait.ge [sflag:s10], $0x3000  }
0x11a: {  	[sflag:s10] =	ssyncset.done $0x0  }
0x11b: {  	[sflag:s10] =	ssyncadd.s32 $0xFFFFD000  }
0x11c: {  	_ =	swait.ge [sflag:s15], $0x3000  }
0x11d: {  	[sflag:s15] =	ssyncset.done $0x0  }
0x11e: {  	s7 =	rddreg [dreg:$0xb];
	[sflag:s15] =	ssyncadd.s32 $0xFFFFD000  }
0x11f: {  	[tilespmem:s16], [sflag:$0x3] =	stream.indirect.gather [hbm4b:s4+s12], $0x80, s7, s12, $0xb8;
	[tilespmem:$0x1E800] =	vst v63  }
0x120: {  	s9 =	rddreg [dreg:$0xc]  }
0x121: {  	[spmem:s2] =	stream.indirect.scatter.add.f32 [tilespmem:s13], [sflag:$0x4], $0x80, s9, s12, $0xb8;
	[tilespmem:$0x1E800] =	vst v63  }
0x122: {  	_ =	swait.ge [sflag:s10], $0x3000  }
0x123: {  	[sflag:s10] =	ssyncset.done $0x0  }
0x124: {  	[sflag:s10] =	ssyncadd.s32 $0xFFFFD000  }
0x125: {  	_ =	swait.ge [sflag:s17], $0x3000  }
0x126: {  	[sflag:s17] =	ssyncset.done $0x0  }
0x127: {  	s7 =	rddreg [dreg:$0xd];
	[sflag:s17] =	ssyncadd.s32 $0xFFFFD000  }
0x128: {  	[tilespmem:s13], [sflag:$0x1] =	stream.indirect.gather [hbm4b:s4+s12], $0x80, s7, s12, $0xb8;
	[tilespmem:$0x1E800] =	vst v63  }
0x129: {  	s9 =	rddreg [dreg:$0xe]  }
0x12a: {  	[spmem:s2] =	stream.indirect.scatter.add.f32 [tilespmem:s14], [sflag:$0x4], $0x80, s9, s12, $0xb8;
	[tilespmem:$0x1E800] =	vst v63  }
0x12b: {  	_ =	swait.ge [sflag:s10], $0x3000  }
0x12c: {  	[sflag:s10] =	ssyncset.done $0x0  }
0x12d: {  	[sflag:s10] =	ssyncadd.s32 $0xFFFFD000  }
0x12e: {  	_ =	swait.ge [sflag:s18], $0x3000  }
0x12f: {  	[sflag:s18] =	ssyncset.done $0x0  }
0x130: {  	s7 =	rddreg [dreg:$0xf];
	[sflag:s18] =	ssyncadd.s32 $0xFFFFD000  }
0x131: {  	[tilespmem:s14], [sflag:$0x2] =	stream.indirect.gather [hbm4b:s4+s12], $0x80, s7, s12, $0xb8;
	[tilespmem:$0x1E800] =	vst v63  }
0x132: {  	s9 =	rddreg [dreg:$0x10]  }
0x133: {  	[spmem:s2] =	stream.indirect.scatter.add.f32 [tilespmem:s16], [sflag:$0x4], $0x80, s9, s12, $0xb8;
	[tilespmem:$0x1E800] =	vst v63  }
0x134: {  	_ =	swait.ge [sflag:s10], $0x3000  }
0x135: {  	[sflag:s10] =	ssyncset.done $0x0  }
0x136: {  	[sflag:s10] =	ssyncadd.s32 $0xFFFFD000  }
0x137: {  	_ =	swait.ge [sflag:s15], $0x3000  }
0x138: {  	[sflag:s15] =	ssyncset.done $0x0  }
0x139: {  	s7 =	rddreg [dreg:$0x11];
	[sflag:s15] =	ssyncadd.s32 $0xFFFFD000  }
0x13a: {  	[tilespmem:s16], [sflag:$0x3] =	stream.indirect.gather [hbm4b:s4+s12], $0x80, s7, s12, $0xb8;
	[tilespmem:$0x1E800] =	vst v63  }
0x13b: {  	s9 =	rddreg [dreg:$0x12]  }
0x13c: {  	[spmem:s2] =	stream.indirect.scatter.add.f32 [tilespmem:s13], [sflag:$0x4], $0x80, s9, s12, $0xb8;
	[tilespmem:$0x1E800] =	vst v63  }
0x13d: {  	_ =	swait.ge [sflag:s10], $0x3000  }
0x13e: {  	[sflag:s10] =	ssyncset.done $0x0  }
0x13f: {  	[sflag:s10] =	ssyncadd.s32 $0xFFFFD000  }
0x140: {  	_ =	swait.ge [sflag:s17], $0x3000  }
0x141: {  	[sflag:s17] =	ssyncset.done $0x0  }
0x142: {  	s7 =	rddreg [dreg:$0x13];
	[sflag:s17] =	ssyncadd.s32 $0xFFFFD000  }
0x143: {  	[tilespmem:s13], [sflag:$0x1] =	stream.indirect.gather [hbm4b:s4+s12], $0x80, s7, s12, $0xb8;
	[tilespmem:$0x1E800] =	vst v63  }
0x144: {  	s9 =	rddreg [dreg:$0x14]  }
0x145: {  	[spmem:s2] =	stream.indirect.scatter.add.f32 [tilespmem:s14], [sflag:$0x4], $0x80, s9, s12, $0xb8;
	[tilespmem:$0x1E800] =	vst v63  }
0x146: {  	_ =	swait.ge [sflag:s10], $0x3000  }
0x147: {  	[sflag:s10] =	ssyncset.done $0x0  }
0x148: {  	[sflag:s10] =	ssyncadd.s32 $0xFFFFD000  }
0x149: {  	_ =	swait.ge [sflag:s18], $0x3000  }
0x14a: {  	[sflag:s18] =	ssyncset.done $0x0  }
0x14b: {  	s7 =	rddreg [dreg:$0x15];
	[sflag:s18] =	ssyncadd.s32 $0xFFFFD000  }
0x14c: {  	[tilespmem:s14], [sflag:$0x2] =	stream.indirect.gather [hbm4b:s4+s12], $0x80, s7, s12, $0xb8;
	[tilespmem:$0x1E800] =	vst v63  }
0x14d: {  	s9 =	rddreg [dreg:$0x16]  }
0x14e: {  	[spmem:s2] =	stream.indirect.scatter.add.f32 [tilespmem:s16], [sflag:$0x4], $0x80, s9, s12, $0xb8;
	[tilespmem:$0x1E800] =	vst v63  }
0x14f: {  	_ =	swait.ge [sflag:s10], $0x3000  }
0x150: {  	[sflag:s10] =	ssyncset.done $0x0  }
0x151: {  	[sflag:s10] =	ssyncadd.s32 $0xFFFFD000  }
0x152: {  	_ =	swait.ge [sflag:s15], $0x3000  }
0x153: {  	[sflag:s15] =	ssyncset.done $0x0  }
0x154: {  	s7 =	rddreg [dreg:$0x17];
	[sflag:s15] =	ssyncadd.s32 $0xFFFFD000  }
0x155: {  	[tilespmem:s16], [sflag:$0x3] =	stream.indirect.gather [hbm4b:s4+s12], $0x80, s7, s12, $0xb8;
	[tilespmem:$0x1E800] =	vst v63  }
0x156: {  	s9 =	rddreg [dreg:$0x18]  }
0x157: {  	[spmem:s2] =	stream.indirect.scatter.add.f32 [tilespmem:s13], [sflag:$0x4], $0x80, s9, s12, $0xb8;
	[tilespmem:$0x1E800] =	vst v63  }
0x158: {  	_ =	swait.ge [sflag:s10], $0x3000  }
0x159: {  	[sflag:s10] =	ssyncset.done $0x0  }
0x15a: {  	[sflag:s10] =	ssyncadd.s32 $0xFFFFD000  }
0x15b: {  	_ =	swait.ge [sflag:s17], $0x3000  }
0x15c: {  	[sflag:s17] =	ssyncset.done $0x0  }
0x15d: {  	s7 =	rddreg [dreg:$0x19];
	[sflag:s17] =	ssyncadd.s32 $0xFFFFD000  }
0x15e: {  	[tilespmem:s13], [sflag:$0x1] =	stream.indirect.gather [hbm4b:s4+s12], $0x80, s7, s12, $0xb8;
	[tilespmem:$0x1E800] =	vst v63  }
0x15f: {  	s9 =	rddreg [dreg:$0x1a]  }
0x160: {  	[spmem:s2] =	stream.indirect.scatter.add.f32 [tilespmem:s14], [sflag:$0x4], $0x80, s9, s12, $0xb8;
	[tilespmem:$0x1E800] =	vst v63  }
0x161: {  	_ =	swait.ge [sflag:s10], $0x3000  }
0x162: {  	[sflag:s10] =	ssyncset.done $0x0  }
0x163: {  	[sflag:s10] =	ssyncadd.s32 $0xFFFFD000  }
0x164: {  	_ =	swait.ge [sflag:s18], $0x3000  }
0x165: {  	[sflag:s18] =	ssyncset.done $0x0  }
0x166: {  	s7 =	rddreg [dreg:$0x1b];
	[sflag:s18] =	ssyncadd.s32 $0xFFFFD000  }
0x167: {  	[tilespmem:s14], [sflag:$0x2] =	stream.indirect.gather [hbm4b:s4+s12], $0x80, s7, s12, $0xb8;
	[tilespmem:$0x1E800] =	vst v63  }
0x168: {  	s9 =	rddreg [dreg:$0x1c]  }
0x169: {  	[spmem:s2] =	stream.indirect.scatter.add.f32 [tilespmem:s16], [sflag:$0x4], $0x80, s9, s12, $0xb8;
	[tilespmem:$0x1E800] =	vst v63  }
0x16a: {  	_ =	swait.ge [sflag:s10], $0x3000  }
0x16b: {  	[sflag:s10] =	ssyncset.done $0x0  }
0x16c: {  	[sflag:s10] =	ssyncadd.s32 $0xFFFFD000  }
0x16d: {  	_ =	swait.ge [sflag:s15], $0x3000  }
0x16e: {  	[sflag:s15] =	ssyncset.done $0x0  }
0x16f: {  	s9 =	rddreg [dreg:$0x1d];
	[sflag:s15] =	ssyncadd.s32 $0xFFFFD000  }
0x170: {  	[tilespmem:s16], [sflag:$0x3] =	stream.indirect.gather [hbm4b:s4+s12], $0x80, s9, s12, $0xb8;
	[tilespmem:$0x1E800] =	vst v63  }
0x171: {  	_ = 	snop  }
0x172: {  	[spmem:s2] =	stream.indirect.scatter.add.f32 [tilespmem:s13], [sflag:$0x4], $0x80, s19, s12, $0xb8;
	[tilespmem:$0x1E800] =	vst v63  }
0x173: {  	_ =	swait.ge [sflag:s10], $0x3000  }
0x174: {  	[sflag:s10] =	ssyncset.done $0x0  }
0x175: {  	[sflag:s10] =	ssyncadd.s32 $0xFFFFD000  }
0x176: {  	_ =	swait.ge [sflag:s17], $0x3000  }
0x177: {  	[sflag:s17] =	ssyncset.done $0x0  }
0x178: {  	[sflag:s17] =	ssyncadd.s32 $0xFFFFD000  }
0x179: {  	[tilespmem:s13], [sflag:$0x1] =	stream.indirect.gather [hbm4b:s4+s12], $0x80, s20, s12, $0xb8;
	[tilespmem:$0x1E800] =	vst v63  }
0x17a: {  	_ = 	snop  }
0x17b: {  	[spmem:s2] =	stream.indirect.scatter.add.f32 [tilespmem:s14], [sflag:$0x4], $0x80, s21, s12, $0xb8;
	[tilespmem:$0x1E800] =	vst v63  }
0x17c: {  	_ =	swait.ge [sflag:s10], $0x3000  }
0x17d: {  	[sflag:s10] =	ssyncset.done $0x0  }
0x17e: {  	[sflag:s10] =	ssyncadd.s32 $0xFFFFD000  }
0x17f: {  	_ =	swait.ge [sflag:s18], $0x3000  }
0x180: {  	[sflag:s18] =	ssyncset.done $0x0  }
0x181: {  	[sflag:s18] =	ssyncadd.s32 $0xFFFFD000  }
0x182: {  	[tilespmem:s14], [sflag:$0x2] =	stream.indirect.gather [hbm4b:s4+s12], $0x80, s22, s12, $0xb8;
	[tilespmem:$0x1E800] =	vst v63  }
0x183: {  	_ = 	snop  }
0x184: {  	[spmem:s2] =	stream.indirect.scatter.add.f32 [tilespmem:s16], [sflag:$0x4], $0x80, s23, s12, $0xb8;
	[tilespmem:$0x1E800] =	vst v63  }
0x185: {  	_ =	swait.ge [sflag:s10], $0x3000  }
0x186: {  	[sflag:s10] =	ssyncset.done $0x0  }
0x187: {  	[sflag:s10] =	ssyncadd.s32 $0xFFFFD000  }
0x188: {  	_ =	swait.ge [sflag:s15], $0x3000  }
0x189: {  	[sflag:s15] =	ssyncset.done $0x0  }
0x18a: {  	[sflag:s15] =	ssyncadd.s32 $0xFFFFD000  }
0x18b: {  	[tilespmem:s16], [sflag:$0x3] =	stream.indirect.gather [hbm4b:s4+s12], $0x80, s24, s12, $0xb8;
	[tilespmem:$0x1E800] =	vst v63  }
0x18c: {  	_ = 	snop  }
0x18d: {  	[spmem:s2] =	stream.indirect.scatter.add.f32 [tilespmem:s13], [sflag:$0x4], $0x80, s25, s12, $0xb8;
	[tilespmem:$0x1E800] =	vst v63  }
0x18e: {  	_ =	swait.ge [sflag:s10], $0x3000  }
0x18f: {  	[sflag:s10] =	ssyncset.done $0x0  }
0x190: {  	[sflag:s10] =	ssyncadd.s32 $0xFFFFD000  }
0x191: {  	_ =	swait.ge [sflag:s17], $0x3000  }
0x192: {  	[sflag:s17] =	ssyncset.done $0x0  }
0x193: {  	[sflag:s17] =	ssyncadd.s32 $0xFFFFD000  }
0x194: {  	[tilespmem:s13], [sflag:$0x1] =	stream.indirect.gather [hbm4b:s4+s12], $0x80, s26, s12, $0xb8;
	[tilespmem:$0x1E800] =	vst v63  }
0x195: {  	_ = 	snop  }
0x196: {  	[spmem:s2] =	stream.indirect.scatter.add.f32 [tilespmem:s14], [sflag:$0x4], $0x80, s28, s12, $0xb8;
	[tilespmem:$0x1E800] =	vst v63  }
0x197: {  	_ =	swait.ge [sflag:s10], $0x3000  }
0x198: {  	[sflag:s10] =	ssyncset.done $0x0  }
0x199: {  	[sflag:s10] =	ssyncadd.s32 $0xFFFFD000  }
0x19a: {  	_ =	swait.ge [sflag:s18], $0x3000  }
0x19b: {  	[sflag:s18] =	ssyncset.done $0x0  }
0x19c: {  	[sflag:s18] =	ssyncadd.s32 $0xFFFFD000  }
0x19d: {  	[tilespmem:s14], [sflag:$0x2] =	stream.indirect.gather [hbm4b:s4+s12], $0x80, s29, s12, $0xb8;
	[tilespmem:$0x1E800] =	vst v63  }
0x19e: {  	_ = 	snop  }
0x19f: {  	[spmem:s2] =	stream.indirect.scatter.add.f32 [tilespmem:s16], [sflag:$0x4], $0x80, s30, s12, $0xb8;
	[tilespmem:$0x1E800] =	vst v63  }
0x1a0: {  	_ =	swait.ge [sflag:s10], $0x3000  }
0x1a1: {  	[sflag:s10] =	ssyncset.done $0x0  }
0x1a2: {  	[sflag:s10] =	ssyncadd.s32 $0xFFFFD000  }
0x1a3: {  	_ =	swait.ge [sflag:s15], $0x3000  }
0x1a4: {  	[sflag:s15] =	ssyncset.done $0x0  }
0x1a5: {  	[sflag:s15] =	ssyncadd.s32 $0xFFFFD000  }
0x1a6: {  	[tilespmem:s16], [sflag:$0x3] =	stream.indirect.gather [hbm4b:s4+s12], $0x80, s31, s12, $0xb8;
	[tilespmem:$0x1E800] =	vst v63  }
0x1a7: {  	_ = 	snop  }
0x1a8: {  	[spmem:s2] =	stream.indirect.scatter.add.f32 [tilespmem:s13], [sflag:$0x4], $0x80, s1, s12, $0xb8;
	[tilespmem:$0x1E800] =	vst v63  }
0x1a9: {  	_ =	swait.ge [sflag:s10], $0x3000  }
0x1aa: {  	[sflag:s10] =	ssyncset.done $0x0  }
0x1ab: {  	[sflag:s10] =	ssyncadd.s32 $0xFFFFD000  }
0x1ac: {  	_ =	swait.ge [sflag:s17], $0x3000  }
0x1ad: {  	[sflag:s17] =	ssyncset.done $0x0  }
0x1ae: {  	[sflag:s17] =	ssyncadd.s32 $0xFFFFD000  }
0x1af: {  	[spmem:s2] =	stream.indirect.scatter.add.f32 [tilespmem:s14], [sflag:$0x4], $0x80, s0, s12, $0xb8;
	[tilespmem:$0x1E800] =	vst v63  }
0x1b0: {  	_ =	swait.ge [sflag:s10], $0x3000  }
0x1b1: {  	[sflag:s10] =	ssyncset.done $0x0  }
0x1b2: {  	[sflag:s10] =	ssyncadd.s32 $0xFFFFD000  }
0x1b3: {  	p0 =	sne.s32 s6, $0x600;
	_ =	swait.ge [sflag:s18], $0x3000  }
.Ltmp0:
0x1b4: {  	[sflag:s18] =	ssyncset.done $0x0;
	(pc) =	sbr.rel @p0 .LBB2_2-.Ltmp0, $4  }
0x1b5: {  	[sflag:s18] =	ssyncadd.s32 $0xFFFFD000  }
0x1b6: {  	[spmem:s2] =	stream.indirect.scatter.add.f32 [tilespmem:s16], [sflag:$0x4], $0x80, s5, s12, $0xb8;
	[tilespmem:$0x1E800] =	vst v63  }
0x1b7: {  	_ =	swait.ge [sflag:s10], $0x3000  }
0x1b8: {  	s6 =	sadd.s32 $0x180, s6;
	s9 =	rddreg [dreg:$0x4];
	[sflag:s10] =	ssyncset.done $0x0  }
0x1b9: {  	[sflag:s10] =	ssyncadd.s32 $0xFFFFD000;
	s6 =	sadd.s32 s8, s9  }
0x1ba: {  	[tilespmem:s3], [sflag:$0x4] =	stream.linear.gather [hbm4b:s6+s3], $0xA80, $0x38;
	[tilespmem:$0x1E800] =	vst v63  }
0x1bb: {  	_ =	swait.ge [sflag:s10], $0xA80  }
0x1bc: {  	s9 =	rddreg [dreg:$0x3];
	[sflag:s10] =	ssyncset.done $0x0  }
0x1bd: {  	[sflag:s10] =	ssyncadd.s32 $0xFFFFF580;
	s6 =	sadd.s32 s8, s9  }
0x1be: {  	[tilespmem:s11], [sflag:$0x4] =	stream.linear.gather [hbm4b:s6+s3], $0xA80, $0x38;
	[tilespmem:$0x1E800] =	vst v63  }
0x1bf: {  	_ =	swait.ge [sflag:s10], $0xA80  }
0x1c0: {  	[sflag:s10] =	ssyncset.done $0x0  }
0x1c1: {  	[sflag:s10] =	ssyncadd.s32 $0xFFFFF580  }
0x1c2: {  	[tilespmem:s13], [sflag:$0x1] =	stream.indirect.gather [hbm4b:s4+s12], $0x80, s3, s12, $0xb8;
	[tilespmem:$0x1E800] =	vst v63  }
0x1c3: {  	s7 =	rddreg [dreg:$0x5]  }
0x1c4: {  	[tilespmem:s14], [sflag:$0x2] =	stream.indirect.gather [hbm4b:s4+s12], $0x80, s7, s12, $0xb8;
	[tilespmem:$0x1E800] =	vst v63  }
0x1c5: {  	_ =	swait.ge [sflag:s15], $0x3000  }
0x1c6: {  	[sflag:s15] =	ssyncset.done $0x0  }
0x1c7: {  	s8 =	rddreg [dreg:$0x6];
	[sflag:s15] =	ssyncadd.s32 $0xFFFFD000  }
0x1c8: {  	[tilespmem:s16], [sflag:$0x3] =	stream.indirect.gather [hbm4b:s4+s12], $0x80, s8, s12, $0xb8;
	[tilespmem:$0x1E800] =	vst v63  }
0x1c9: {  	_ = 	snop  }
0x1ca: {  	[spmem:s2] =	stream.indirect.scatter.add.f32 [tilespmem:s13], [sflag:$0x4], $0x80, s11, s12, $0xb8;
	[tilespmem:$0x1E800] =	vst v63  }
0x1cb: {  	_ =	swait.ge [sflag:s10], $0x3000  }
0x1cc: {  	[sflag:s10] =	ssyncset.done $0x0  }
0x1cd: {  	[sflag:s10] =	ssyncadd.s32 $0xFFFFD000  }
0x1ce: {  	_ =	swait.ge [sflag:s17], $0x3000  }
0x1cf: {  	[sflag:s17] =	ssyncset.done $0x0  }
0x1d0: {  	s9 =	rddreg [dreg:$0x7];
	[sflag:s17] =	ssyncadd.s32 $0xFFFFD000  }
0x1d1: {  	[tilespmem:s13], [sflag:$0x1] =	stream.indirect.gather [hbm4b:s4+s12], $0x80, s9, s12, $0xb8;
	[tilespmem:$0x1E800] =	vst v63  }
0x1d2: {  	s7 =	rddreg [dreg:$0x8]  }
0x1d3: {  	[spmem:s2] =	stream.indirect.scatter.add.f32 [tilespmem:s14], [sflag:$0x4], $0x80, s7, s12, $0xb8;
	[tilespmem:$0x1E800] =	vst v63  }
0x1d4: {  	_ =	swait.ge [sflag:s10], $0x3000  }
0x1d5: {  	[sflag:s10] =	ssyncset.done $0x0  }
0x1d6: {  	[sflag:s10] =	ssyncadd.s32 $0xFFFFD000  }
0x1d7: {  	_ =	swait.ge [sflag:s18], $0x3000  }
0x1d8: {  	[sflag:s18] =	ssyncset.done $0x0  }
0x1d9: {  	s8 =	rddreg [dreg:$0x9];
	[sflag:s18] =	ssyncadd.s32 $0xFFFFD000  }
0x1da: {  	[tilespmem:s14], [sflag:$0x2] =	stream.indirect.gather [hbm4b:s4+s12], $0x80, s8, s12, $0xb8;
	[tilespmem:$0x1E800] =	vst v63  }
0x1db: {  	s9 =	rddreg [dreg:$0xa]  }
0x1dc: {  	[spmem:s2] =	stream.indirect.scatter.add.f32 [tilespmem:s16], [sflag:$0x4], $0x80, s9, s12, $0xb8;
	[tilespmem:$0x1E800] =	vst v63  }
0x1dd: {  	_ =	swait.ge [sflag:s10], $0x3000  }
0x1de: {  	[sflag:s10] =	ssyncset.done $0x0  }
0x1df: {  	[sflag:s10] =	ssyncadd.s32 $0xFFFFD000  }
0x1e0: {  	_ =	swait.ge [sflag:s15], $0x3000  }
0x1e1: {  	[sflag:s15] =	ssyncset.done $0x0  }
0x1e2: {  	s8 =	rddreg [dreg:$0xb];
	[sflag:s15] =	ssyncadd.s32 $0xFFFFD000  }
0x1e3: {  	[tilespmem:s16], [sflag:$0x3] =	stream.indirect.gather [hbm4b:s4+s12], $0x80, s8, s12, $0xb8;
	[tilespmem:$0x1E800] =	vst v63  }
0x1e4: {  	s9 =	rddreg [dreg:$0xc]  }
0x1e5: {  	[spmem:s2] =	stream.indirect.scatter.add.f32 [tilespmem:s13], [sflag:$0x4], $0x80, s9, s12, $0xb8;
	[tilespmem:$0x1E800] =	vst v63  }
0x1e6: {  	_ =	swait.ge [sflag:s10], $0x3000  }
0x1e7: {  	[sflag:s10] =	ssyncset.done $0x0  }
0x1e8: {  	[sflag:s10] =	ssyncadd.s32 $0xFFFFD000  }
0x1e9: {  	_ =	swait.ge [sflag:s17], $0x3000  }
0x1ea: {  	[sflag:s17] =	ssyncset.done $0x0  }
0x1eb: {  	s8 =	rddreg [dreg:$0xd];
	[sflag:s17] =	ssyncadd.s32 $0xFFFFD000  }
0x1ec: {  	[tilespmem:s13], [sflag:$0x1] =	stream.indirect.gather [hbm4b:s4+s12], $0x80, s8, s12, $0xb8;
	[tilespmem:$0x1E800] =	vst v63  }
0x1ed: {  	s9 =	rddreg [dreg:$0xe]  }
0x1ee: {  	[spmem:s2] =	stream.indirect.scatter.add.f32 [tilespmem:s14], [sflag:$0x4], $0x80, s9, s12, $0xb8;
	[tilespmem:$0x1E800] =	vst v63  }
0x1ef: {  	_ =	swait.ge [sflag:s10], $0x3000  }
0x1f0: {  	[sflag:s10] =	ssyncset.done $0x0  }
0x1f1: {  	[sflag:s10] =	ssyncadd.s32 $0xFFFFD000  }
0x1f2: {  	_ =	swait.ge [sflag:s18], $0x3000  }
0x1f3: {  	[sflag:s18] =	ssyncset.done $0x0  }
0x1f4: {  	s8 =	rddreg [dreg:$0xf];
	[sflag:s18] =	ssyncadd.s32 $0xFFFFD000  }
0x1f5: {  	[tilespmem:s14], [sflag:$0x2] =	stream.indirect.gather [hbm4b:s4+s12], $0x80, s8, s12, $0xb8;
	[tilespmem:$0x1E800] =	vst v63  }
0x1f6: {  	s9 =	rddreg [dreg:$0x10]  }
0x1f7: {  	[spmem:s2] =	stream.indirect.scatter.add.f32 [tilespmem:s16], [sflag:$0x4], $0x80, s9, s12, $0xb8;
	[tilespmem:$0x1E800] =	vst v63  }
0x1f8: {  	_ =	swait.ge [sflag:s10], $0x3000  }
0x1f9: {  	[sflag:s10] =	ssyncset.done $0x0  }
0x1fa: {  	[sflag:s10] =	ssyncadd.s32 $0xFFFFD000  }
0x1fb: {  	_ =	swait.ge [sflag:s15], $0x3000  }
0x1fc: {  	[sflag:s15] =	ssyncset.done $0x0  }
0x1fd: {  	s8 =	rddreg [dreg:$0x11];
	[sflag:s15] =	ssyncadd.s32 $0xFFFFD000  }
0x1fe: {  	[tilespmem:s16], [sflag:$0x3] =	stream.indirect.gather [hbm4b:s4+s12], $0x80, s8, s12, $0xb8;
	[tilespmem:$0x1E800] =	vst v63  }
0x1ff: {  	s9 =	rddreg [dreg:$0x12]  }
0x200: {  	[spmem:s2] =	stream.indirect.scatter.add.f32 [tilespmem:s13], [sflag:$0x4], $0x80, s9, s12, $0xb8;
	[tilespmem:$0x1E800] =	vst v63  }
0x201: {  	_ =	swait.ge [sflag:s10], $0x3000  }
0x202: {  	[sflag:s10] =	ssyncset.done $0x0  }
0x203: {  	[sflag:s10] =	ssyncadd.s32 $0xFFFFD000  }
0x204: {  	_ =	swait.ge [sflag:s17], $0x3000  }
0x205: {  	[sflag:s17] =	ssyncset.done $0x0  }
0x206: {  	s8 =	rddreg [dreg:$0x13];
	[sflag:s17] =	ssyncadd.s32 $0xFFFFD000  }
0x207: {  	[tilespmem:s13], [sflag:$0x1] =	stream.indirect.gather [hbm4b:s4+s12], $0x80, s8, s12, $0xb8;
	[tilespmem:$0x1E800] =	vst v63  }
0x208: {  	s9 =	rddreg [dreg:$0x14]  }
0x209: {  	[spmem:s2] =	stream.indirect.scatter.add.f32 [tilespmem:s14], [sflag:$0x4], $0x80, s9, s12, $0xb8;
	[tilespmem:$0x1E800] =	vst v63  }
0x20a: {  	_ =	swait.ge [sflag:s10], $0x3000  }
0x20b: {  	[sflag:s10] =	ssyncset.done $0x0  }
0x20c: {  	[sflag:s10] =	ssyncadd.s32 $0xFFFFD000  }
0x20d: {  	_ =	swait.ge [sflag:s18], $0x3000  }
0x20e: {  	[sflag:s18] =	ssyncset.done $0x0  }
0x20f: {  	s8 =	rddreg [dreg:$0x15];
	[sflag:s18] =	ssyncadd.s32 $0xFFFFD000  }
0x210: {  	[tilespmem:s14], [sflag:$0x2] =	stream.indirect.gather [hbm4b:s4+s12], $0x80, s8, s12, $0xb8;
	[tilespmem:$0x1E800] =	vst v63  }
0x211: {  	s9 =	rddreg [dreg:$0x16]  }
0x212: {  	[spmem:s2] =	stream.indirect.scatter.add.f32 [tilespmem:s16], [sflag:$0x4], $0x80, s9, s12, $0xb8;
	[tilespmem:$0x1E800] =	vst v63  }
0x213: {  	_ =	swait.ge [sflag:s10], $0x3000  }
0x214: {  	[sflag:s10] =	ssyncset.done $0x0  }
0x215: {  	[sflag:s10] =	ssyncadd.s32 $0xFFFFD000  }
0x216: {  	_ =	swait.ge [sflag:s15], $0x3000  }
0x217: {  	[sflag:s15] =	ssyncset.done $0x0  }
0x218: {  	s8 =	rddreg [dreg:$0x17];
	[sflag:s15] =	ssyncadd.s32 $0xFFFFD000  }
0x219: {  	[tilespmem:s16], [sflag:$0x3] =	stream.indirect.gather [hbm4b:s4+s12], $0x80, s8, s12, $0xb8;
	[tilespmem:$0x1E800] =	vst v63  }
0x21a: {  	s9 =	rddreg [dreg:$0x18]  }
0x21b: {  	[spmem:s2] =	stream.indirect.scatter.add.f32 [tilespmem:s13], [sflag:$0x4], $0x80, s9, s12, $0xb8;
	[tilespmem:$0x1E800] =	vst v63  }
0x21c: {  	_ =	swait.ge [sflag:s10], $0x3000  }
0x21d: {  	[sflag:s10] =	ssyncset.done $0x0  }
0x21e: {  	[sflag:s10] =	ssyncadd.s32 $0xFFFFD000  }
0x21f: {  	_ =	swait.ge [sflag:s17], $0x3000  }
0x220: {  	[sflag:s17] =	ssyncset.done $0x0  }
0x221: {  	s8 =	rddreg [dreg:$0x19];
	[sflag:s17] =	ssyncadd.s32 $0xFFFFD000  }
0x222: {  	[tilespmem:s13], [sflag:$0x1] =	stream.indirect.gather [hbm4b:s4+s12], $0x80, s8, s12, $0xb8;
	[tilespmem:$0x1E800] =	vst v63  }
0x223: {  	s9 =	rddreg [dreg:$0x1a]  }
0x224: {  	[spmem:s2] =	stream.indirect.scatter.add.f32 [tilespmem:s14], [sflag:$0x4], $0x80, s9, s12, $0xb8;
	[tilespmem:$0x1E800] =	vst v63  }
0x225: {  	_ =	swait.ge [sflag:s10], $0x3000  }
0x226: {  	[sflag:s10] =	ssyncset.done $0x0  }
0x227: {  	[sflag:s10] =	ssyncadd.s32 $0xFFFFD000  }
0x228: {  	_ =	swait.ge [sflag:s18], $0x3000  }
0x229: {  	[sflag:s18] =	ssyncset.done $0x0  }
0x22a: {  	s8 =	rddreg [dreg:$0x1b];
	[sflag:s18] =	ssyncadd.s32 $0xFFFFD000  }
0x22b: {  	[tilespmem:s14], [sflag:$0x2] =	stream.indirect.gather [hbm4b:s4+s12], $0x80, s8, s12, $0xb8;
	[tilespmem:$0x1E800] =	vst v63  }
0x22c: {  	s9 =	rddreg [dreg:$0x1c]  }
0x22d: {  	[spmem:s2] =	stream.indirect.scatter.add.f32 [tilespmem:s16], [sflag:$0x4], $0x80, s9, s12, $0xb8;
	[tilespmem:$0x1E800] =	vst v63  }
0x22e: {  	_ =	swait.ge [sflag:s10], $0x3000  }
0x22f: {  	[sflag:s10] =	ssyncset.done $0x0  }
0x230: {  	[sflag:s10] =	ssyncadd.s32 $0xFFFFD000  }
0x231: {  	_ =	swait.ge [sflag:s15], $0x3000  }
0x232: {  	[sflag:s15] =	ssyncset.done $0x0  }
0x233: {  	s8 =	rddreg [dreg:$0x1d];
	[sflag:s15] =	ssyncadd.s32 $0xFFFFD000  }
0x234: {  	[tilespmem:s16], [sflag:$0x3] =	stream.indirect.gather [hbm4b:s4+s12], $0x80, s8, s12, $0xb8;
	[tilespmem:$0x1E800] =	vst v63  }
0x235: {  	_ = 	snop  }
0x236: {  	[spmem:s2] =	stream.indirect.scatter.add.f32 [tilespmem:s13], [sflag:$0x4], $0x80, s19, s12, $0xb8;
	[tilespmem:$0x1E800] =	vst v63  }
0x237: {  	_ =	swait.ge [sflag:s10], $0x3000  }
0x238: {  	[sflag:s10] =	ssyncset.done $0x0  }
0x239: {  	[sflag:s10] =	ssyncadd.s32 $0xFFFFD000  }
0x23a: {  	_ =	swait.ge [sflag:s17], $0x3000  }
0x23b: {  	[sflag:s17] =	ssyncset.done $0x0  }
0x23c: {  	[sflag:s17] =	ssyncadd.s32 $0xFFFFD000  }
0x23d: {  	[tilespmem:s13], [sflag:$0x1] =	stream.indirect.gather [hbm4b:s4+s12], $0x80, s20, s12, $0xb8;
	[tilespmem:$0x1E800] =	vst v63  }
0x23e: {  	_ = 	snop  }
0x23f: {  	[spmem:s2] =	stream.indirect.scatter.add.f32 [tilespmem:s14], [sflag:$0x4], $0x80, s21, s12, $0xb8;
	[tilespmem:$0x1E800] =	vst v63  }
0x240: {  	_ =	swait.ge [sflag:s10], $0x3000  }
0x241: {  	[sflag:s10] =	ssyncset.done $0x0  }
0x242: {  	[sflag:s10] =	ssyncadd.s32 $0xFFFFD000  }
0x243: {  	_ =	swait.ge [sflag:s18], $0x3000  }
0x244: {  	[sflag:s18] =	ssyncset.done $0x0  }
0x245: {  	[sflag:s18] =	ssyncadd.s32 $0xFFFFD000  }
0x246: {  	[tilespmem:s14], [sflag:$0x2] =	stream.indirect.gather [hbm4b:s4+s12], $0x80, s22, s12, $0xb8;
	[tilespmem:$0x1E800] =	vst v63  }
0x247: {  	_ = 	snop  }
0x248: {  	[spmem:s2] =	stream.indirect.scatter.add.f32 [tilespmem:s16], [sflag:$0x4], $0x80, s23, s12, $0xb8;
	[tilespmem:$0x1E800] =	vst v63  }
0x249: {  	_ =	swait.ge [sflag:s10], $0x3000  }
0x24a: {  	[sflag:s10] =	ssyncset.done $0x0  }
0x24b: {  	[sflag:s10] =	ssyncadd.s32 $0xFFFFD000  }
0x24c: {  	_ =	swait.ge [sflag:s15], $0x3000  }
0x24d: {  	[sflag:s15] =	ssyncset.done $0x0  }
0x24e: {  	[sflag:s15] =	ssyncadd.s32 $0xFFFFD000  }
0x24f: {  	[tilespmem:s16], [sflag:$0x3] =	stream.indirect.gather [hbm4b:s4+s12], $0x80, s24, s12, $0xb8;
	[tilespmem:$0x1E800] =	vst v63  }
0x250: {  	_ = 	snop  }
0x251: {  	[spmem:s2] =	stream.indirect.scatter.add.f32 [tilespmem:s13], [sflag:$0x4], $0x80, s25, s12, $0xb8;
	[tilespmem:$0x1E800] =	vst v63  }
0x252: {  	_ =	swait.ge [sflag:s10], $0x3000  }
0x253: {  	[sflag:s10] =	ssyncset.done $0x0  }
0x254: {  	[sflag:s10] =	ssyncadd.s32 $0xFFFFD000  }
0x255: {  	_ =	swait.ge [sflag:s17], $0x3000  }
0x256: {  	[sflag:s17] =	ssyncset.done $0x0  }
0x257: {  	[sflag:s17] =	ssyncadd.s32 $0xFFFFD000  }
0x258: {  	[tilespmem:s13], [sflag:$0x1] =	stream.indirect.gather [hbm4b:s4+s12], $0x80, s26, s12, $0xb8;
	[tilespmem:$0x1E800] =	vst v63  }
0x259: {  	_ = 	snop  }
0x25a: {  	[spmem:s2] =	stream.indirect.scatter.add.f32 [tilespmem:s14], [sflag:$0x4], $0x80, s28, s12, $0xb8;
	[tilespmem:$0x1E800] =	vst v63  }
0x25b: {  	_ =	swait.ge [sflag:s10], $0x3000  }
0x25c: {  	[sflag:s10] =	ssyncset.done $0x0  }
0x25d: {  	[sflag:s10] =	ssyncadd.s32 $0xFFFFD000  }
0x25e: {  	_ =	swait.ge [sflag:s18], $0x3000  }
0x25f: {  	[sflag:s18] =	ssyncset.done $0x0  }
0x260: {  	[sflag:s18] =	ssyncadd.s32 $0xFFFFD000  }
0x261: {  	[tilespmem:s14], [sflag:$0x2] =	stream.indirect.gather [hbm4b:s4+s12], $0x80, s29, s12, $0xb8;
	[tilespmem:$0x1E800] =	vst v63  }
0x262: {  	_ = 	snop  }
0x263: {  	[spmem:s2] =	stream.indirect.scatter.add.f32 [tilespmem:s16], [sflag:$0x4], $0x80, s30, s12, $0xb8;
	[tilespmem:$0x1E800] =	vst v63  }
0x264: {  	_ =	swait.ge [sflag:s10], $0x3000  }
0x265: {  	[sflag:s10] =	ssyncset.done $0x0  }
0x266: {  	[sflag:s10] =	ssyncadd.s32 $0xFFFFD000  }
0x267: {  	_ =	swait.ge [sflag:s15], $0x3000  }
0x268: {  	[sflag:s15] =	ssyncset.done $0x0  }
0x269: {  	[sflag:s15] =	ssyncadd.s32 $0xFFFFD000  }
0x26a: {  	[tilespmem:s16], [sflag:$0x3] =	stream.indirect.gather [hbm4b:s4+s12], $0x80, s31, s12, $0xb8;
	[tilespmem:$0x1E800] =	vst v63  }
0x26b: {  	_ = 	snop  }
0x26c: {  	[spmem:s2] =	stream.indirect.scatter.add.f32 [tilespmem:s13], [sflag:$0x4], $0x80, s1, s12, $0xb8;
	[tilespmem:$0x1E800] =	vst v63  }
0x26d: {  	_ =	swait.ge [sflag:s10], $0x3000  }
0x26e: {  	[sflag:s10] =	ssyncset.done $0x0  }
0x26f: {  	[sflag:s10] =	ssyncadd.s32 $0xFFFFD000  }
0x270: {  	_ =	swait.ge [sflag:s17], $0x3000  }
0x271: {  	[sflag:s17] =	ssyncset.done $0x0  }
0x272: {  	[sflag:s17] =	ssyncadd.s32 $0xFFFFD000  }
0x273: {  	[spmem:s2] =	stream.indirect.scatter.add.f32 [tilespmem:s14], [sflag:$0x4], $0x80, s0, s12, $0xb8;
	[tilespmem:$0x1E800] =	vst v63  }
0x274: {  	_ =	swait.ge [sflag:s10], $0x3000  }
0x275: {  	[sflag:s10] =	ssyncset.done $0x0  }
0x276: {  	[sflag:s10] =	ssyncadd.s32 $0xFFFFD000  }
0x277: {  	_ =	swait.ge [sflag:s18], $0x3000  }
0x278: {  	[sflag:s18] =	ssyncset.done $0x0  }
0x279: {  	[sflag:s18] =	ssyncadd.s32 $0xFFFFD000  }
0x27a: {  	[spmem:s2] =	stream.indirect.scatter.add.f32 [tilespmem:s16], [sflag:$0x4], $0x80, s5, s12, $0xb8;
	[tilespmem:$0x1E800] =	vst v63  }
0x27b: {  	_ =	swait.ge [sflag:s10], $0x3000  }
0x27c: {  	[sflag:s10] =	ssyncset.done $0x0  }
0x27d: {  	[sflag:s10] =	ssyncadd.s32 $0xFFFFD000  }
0x27e: {  	[bflag:$0x0] =	sbarrier.arrive $0xFFFF  }
0x27f: {  	s9 =	sld [smem:$0x7FB]  }
0x280: {  	s7 =	sld [smem:$0x7FD];
	_ =	sdelay $0x1  }
0x281: {  	s8 =	rddreg [dreg:$0x1f]  }
0x282: {  	[hbm:s9], [sflag:s8] =	dma.local [spmem:s7], $0x2800  }
0x283: {  	_ =	swait.ge [sflag:s10], $0x2800  }
0x284: {  	s6 =	sld [smem:$0x7FA];
	_ =	sdelay $0x2  }
0x285: {  	s9 =	sadd.s32 $0x1, s6;
	s6 =	sld [smem:$0x7FC];
	_ =	sdelay $0x2  }
0x286: {  	p0 =	sne.s32 s9, s6  }
.Ltmp1:
0x287: {  	_ = 	snop;
	(pc) =	sbr.rel @p0 .LBB2_1-.Ltmp1, $3  }
0x288: {  	_ =	sdelay $0x1  }
0x289: {  	[sflag:s10] =	ssyncset.done $0x0  }
0x28a: {  	[sflag:s10] =	ssyncadd.s32 $0xFFFFD800  }
0x28b: {  	_ =	sfence.sel $0x180000  }
0x28c: {  	[bflag:$0x0] =	sbarrier.arrive $0xFFFF  }
0x28d: {  	_ =	strace $0x9000004D  }
0x28e: {  	s0 =	stileid.u32;
	[bflag:$0x2] =	sbarrier.arrive $0xFFFF  }
0x28f: {  	p0 =	sne.s32 s0, $0x0;
	s0 =	rddreg [dreg:$0x2]  }
0x290: {  	s0 =	sadd.s32 @!p0 $0x100000, s0  }
0x291: {  	[sflag:s0] =	ssyncadd.tile.s32 @!p0 $0x1;
	_ =	shalt  }
.Lfunc_end2:
_tile_overlayer_lowered:
.L_overlay_start_2:
0x292: {  	(tag) =	ssettag $0x2  }
0x293: {  	s0 =	rddreg [dreg:$0x0];
	s2 =	stileid.u32  }
0x294: {  	s1 =	rddreg [dreg:$0x1];
	p0 =	sne.s32 s2, $0x0  }
0x295: {  	s3 =	rddreg [dreg:$0x2];
	[bflag:$0x3] =	sbarrier.arrive $0xFFFF;
	s2 =	simm.s32 @!p0 $0x1C04  }
0x296: {  	[timem:s3], [sflag:s2] =	dma.local @!p0 [hbm:s0], s1  }
0x297: {  	s0 =	simm.s32 @!p0 $0x4  }
0x298: {  	_ =	swait.ge @!p0 [sflag:s0], s1  }
0x299: {  	s1 =	ssub.s32 @!p0 $0x0, s1;
	[sflag:s0] =	ssyncset.done @!p0 $0x0  }
0x29a: {  	[sflag:s0] =	ssyncadd.s32 @!p0 s1  }
0x29b: {  	[bflag:$0x3] =	sbarrier.arrive $0xFFFF  }
0x29c: {  	_ =	shalt  }

// kernel: kernel.8.cloned.1.call-start
scs
__scs_entry_jumppad:
0x0: {  	(pc) =	sbr.rel $0x88, $3  }
0x1: {  	(tag) =	ssettag $0x0;
	lr =	simm.s32 $0x1  }
0x2: {  	[smem:$0x3F9B] =	sst lr;
	_ =	strace $0xD0000000  }
0x3: {  	_ = 	snop  }
0x4: {  	_ = 	snop  }
0x5: {  	_ = 	snop  }
0x6: {  	_ = 	snop  }
0x7: {  	_ = 	snop  }
__scs_overlays_trampoline_lowered:
0x8: {  	[smem:$0x3FAA] =	sst s0  }
0x9: {  	[smem:$0x3FAB] =	sst s1  }
0xa: {  	[smem:$0x3FAC] =	sst s2  }
0xb: {  	[smem:$0x3FAD] =	sst s3  }
0xc: {  	[smem:$0x3FAE] =	sst s4  }
0xd: {  	[smem:$0x3FAF] =	sst s5  }
0xe: {  	[smem:$0x3FB0] =	sst s6  }
0xf: {  	[smem:$0x3FB1] =	sst s7  }
0x10: {  	[smem:$0x3FB2] =	sst s8  }
0x11: {  	[smem:$0x3FB3] =	sst s9;
	s0 =	simm.s32 @!p0 $0x0  }
0x12: {  	s1 =	sld [smem:$0x3F99];
	s0 =	simm.s32 @p0 $0x1  }
0x13: {  	[smem:$0x3FB4] =	sst s0;
	s0 =	simm.s32 @!p1 $0x0  }
0x14: {  	s2 =	sld [smem:$0x3F98];
	s0 =	simm.s32 @p1 $0x1  }
0x15: {  	[smem:$0x3FB5] =	sst s0;
	s0 =	simm.s32 @!p2 $0x0  }
0x16: {  	s3 =	sld [smem:$0x3FDB];
	s0 =	simm.s32 @p2 $0x1  }
0x17: {  	s4 =	simm.s32 $0x1BF5;
	[smem:$0x3FB7] =	sst s0  }
0x18: {  	s0 =	sld [smem:$0x3F9A];
	_ =	swait.ge [sflag:s4], $0x0  }
0x19: {  	s7 =	sld [smem:$0x3F9B]  }
0x1a: {  	s8 =	sadd.s32 $0xFFFFE003, lr  }
0x1b: {  	s9 =	sadd.s32 $0xFFFFFEF7, lr;
	s5 =	simm.s32 $0xFFFFFFFF;
	p2 =	slt.u32 s8, $0xFFFFF086  }
0x1c: {  	p1 =	slt.u32 s9, $0xF7A;
	s5 =	simm.s32 @!p2 $0x0  }
0x1d: {  	s5 =	simm.s32 @p1 $0x1;
	p0 =	seq.s32 s7, s2  }
0x1e: {  	s7 =	smul.u32 @!p0 $0xF7A, s2;
	p2 =	seq.s32 @!p0 s5, $0x0  }
0x1f: {  	s9 =	smul.u32 $0xF7A, s1;
	s8 =	simm.s32 @!p0 $0x1BF5;
	p2 =	por !p2, p0  }
0x20: {  	[sflag:s8] =	ssyncset.s32 @!p0 $0xFFFFF086;
	s6 =	sadd.s32 @!p0 s3, s7;
	s7 =	simm.s32 @!p0 $0x108  }
0x21: {  	s3 =	sadd.s32 s3, s9;
	s6 =	sadd.s32 @!p0 $0x88, s6;
	s7 =	simm.s32 @p2 $0x1082  }
0x22: {  	[simem:s7], [sflag:s8] =	dma.local @!p0 [hbm:s6], $0xF7A  }
0x23: {  	s9 =	sor.u32 $0xD0000000, s2;
	s6 =	simm.s32 $0x108;
	_ =	swait.ge @!p0 [sflag:s8], $0x0  }
0x24: {  	s3 =	sadd.s32 $0x88, s3;
	s6 =	simm.s32 @!p1 $0x1082;
	[sflag:s4] =	ssyncset.s32 $0xFFFFF086  }
0x25: {  	[simem:s6], [sflag:s4] =	dma.local [hbm:s3], $0xF7A  }
0x26: {  	[smem:$0x3F9B] =	sst s1;
	(tag) =	ssettag s2;
	_ =	strace s9  }
0x27: {  	s1 =	sld [smem:$0x3FAB]  }
0x28: {  	s2 =	sld [smem:$0x3FAC]  }
0x29: {  	s4 =	sld [smem:$0x3FAE]  }
0x2a: {  	p0 =	seq.s32 s5, $0x0;
	s5 =	sld [smem:$0x3FAF]  }
0x2b: {  	s6 =	sld [smem:$0x3FB0]  }
0x2c: {  	s7 =	sld [smem:$0x3FB1]  }
0x2d: {  	s3 =	simm.s32 $0x108;
	s8 =	sld [smem:$0x3FB2]  }
0x2e: {  	s3 =	simm.s32 @!p0 $0x1082;
	s9 =	sld [smem:$0x3FB3]  }
0x2f: {  	lr =	sadd.s32 s0, s3;
	s0 =	sld [smem:$0x3FAA]  }
0x30: {  	s3 =	sld [smem:$0x3FAD]  }
0x31: {  	[smem:$0x3FB6] =	sst s10  }
0x32: {  	s10 =	sld [smem:$0x3FB4];
	_ =	sdelay $0x3  }
0x33: {  	p0 =	seq.s32 s10, $0x1;
	s10 =	sld [smem:$0x3FB6];
	_ =	sdelay $0x3  }
0x34: {  	[smem:$0x3FB6] =	sst s10  }
0x35: {  	s10 =	sld [smem:$0x3FB5];
	_ =	sdelay $0x3  }
0x36: {  	p1 =	seq.s32 s10, $0x1;
	s10 =	sld [smem:$0x3FB6];
	_ =	sdelay $0x3  }
0x37: {  	[smem:$0x3FB6] =	sst s10  }
0x38: {  	s10 =	sld [smem:$0x3FB7]  }
0x39: {  	_ = 	snop;
	(pc) =	sbr.ind lr, $3  }
0x3a: {  	_ = 	snop  }
0x3b: {  	_ = 	snop  }
0x3c: {  	p2 =	seq.s32 s10, $0x1;
	s10 =	sld [smem:$0x3FB6]  }
0x3d: {  	_ =	shalt  }
0x3e: {  	_ =	shalt  }
0x3f: {  	_ =	shalt  }
0x40: {  	_ =	shalt  }
0x41: {  	_ =	shalt  }
0x42: {  	_ =	shalt  }
0x43: {  	_ =	shalt  }
0x44: {  	_ =	shalt  }
0x45: {  	_ =	shalt  }
0x46: {  	_ =	shalt  }
0x47: {  	_ =	shalt  }
0x48: {  	_ =	shalt  }
0x49: {  	_ =	shalt  }
0x4a: {  	_ =	shalt  }
0x4b: {  	_ =	shalt  }
0x4c: {  	_ =	shalt  }
0x4d: {  	_ =	shalt  }
0x4e: {  	_ =	shalt  }
0x4f: {  	_ =	shalt  }
0x50: {  	_ =	shalt  }
0x51: {  	_ =	shalt  }
0x52: {  	_ =	shalt  }
0x53: {  	_ =	shalt  }
0x54: {  	_ =	shalt  }
0x55: {  	_ =	shalt  }
0x56: {  	_ =	shalt  }
0x57: {  	_ =	shalt  }
0x58: {  	_ =	shalt  }
0x59: {  	_ =	shalt  }
0x5a: {  	_ =	shalt  }
0x5b: {  	_ =	shalt  }
0x5c: {  	_ =	shalt  }
0x5d: {  	_ =	shalt  }
0x5e: {  	_ =	shalt  }
0x5f: {  	_ =	shalt  }
0x60: {  	_ =	shalt  }
0x61: {  	_ =	shalt  }
0x62: {  	_ =	shalt  }
0x63: {  	_ =	shalt  }
0x64: {  	_ =	shalt  }
0x65: {  	_ =	shalt  }
0x66: {  	_ =	shalt  }
0x67: {  	_ =	shalt  }
0x68: {  	_ =	shalt  }
0x69: {  	_ =	shalt  }
0x6a: {  	_ =	shalt  }
0x6b: {  	_ =	shalt  }
0x6c: {  	_ =	shalt  }
0x6d: {  	_ =	shalt  }
0x6e: {  	_ =	shalt  }
0x6f: {  	_ =	shalt  }
0x70: {  	_ =	shalt  }
0x71: {  	_ =	shalt  }
0x72: {  	_ =	shalt  }
0x73: {  	_ =	shalt  }
0x74: {  	_ =	shalt  }
0x75: {  	_ =	shalt  }
0x76: {  	_ =	shalt  }
0x77: {  	_ =	shalt  }
0x78: {  	_ =	shalt  }
0x79: {  	_ =	shalt  }
0x7a: {  	_ =	shalt  }
0x7b: {  	_ =	shalt  }
0x7c: {  	_ =	shalt  }
0x7d: {  	_ =	shalt  }
0x7e: {  	_ =	shalt  }
0x7f: {  	_ =	shalt  }
0x80: {  	_ =	shalt  }
0x81: {  	_ =	shalt  }
0x82: {  	_ =	shalt  }
0x83: {  	_ =	shalt  }
0x84: {  	_ =	shalt  }
0x85: {  	_ =	shalt  }
0x86: {  	_ =	shalt  }
0x87: {  	_ =	shalt  }
.Lfunc_end0:
.L_simem_size_0:
called_computation_lowered:
.L_overlay_start_0:
0x88: {  	s2 =	sld [smem:$0x3FD9]  }
0x89: {  	s3 =	sld [smem:$0x3FFE];
	_ =	sdelay $0x1  }
0x8a: {  	s1 =	srdreg.scid  }
0x8b: {  	s0 =	sand.u32 $0x1, s1  }
0x8c: {  	s16 =	sshll.u32 s0, $0xA;
	s2 =	sadd.s32 s3, s2  }
0x8d: {  	s2 =	sadd.s32 s2, s16  }
0x8e: {  	[smem:$0x3FC2] =	sst s2  }
0x8f: {  	_ = 	snop  }
0x90: {  	(tm) =	ssettm $0x1  }
0x91: {  	s17 =	sld [smem:$0x3FFB];
	_ =	sdelay $0x3  }
0x92: {  	_ =	strace s17  }
0x93: {  	s2 =	sld [smem:$0x3FFC];
	_ =	sdelay $0x3  }
0x94: {  	_ =	strace s2  }
0x95: {  	s2 =	sld [smem:$0x3FFD];
	_ =	sdelay $0x3  }
0x96: {  	_ =	strace s2  }
0x97: {  	_ =	strace $0x8FFFFFFF  }
0x98: {  	s18 =	sld [smem:$0x3FDB];
	_ =	sdelay $0x1  }
0x99: {  	s19 =	simm.s32 $_scs_section_size  }
0x9a: {  	s4 =	simm.s32 $_size__tile_overlayer_lowered;
	s5 =	simm.s32 $_tile_overlayer_lowered  }
0x9b: {  	s22 =	simm.s32 $0x1BFF;
	s21 =	sshll.u32 s5, $0x1;
	s2 =	sadd.s32 s19, s18  }
0x9c: {  	s6 =	simm.s32 $0x0;
	s20 =	sshll.u32 s4, $0x1;
	s4 =	sadd.s32 s21, s2  }
0x9d: {  	[timem:s6], [sflag:s22] =	dma.local [hbm:s4], s20  }
0x9e: {  	_ =	swait.ge [sflag:s22], s20  }
0x9f: {  	s3 =	ssub.s32 $0x0, s20;
	[sflag:s22] =	ssyncset.done $0x0  }
0xa0: {  	[sflag:s22] =	ssyncadd.s32 s3;
	_ =	sdelay $0x1  }
0xa1: {  	s23 =	simm.s32 $0x1B8B  }
0xa2: {  	_ =	swait.ge [sflag:s23], $0x1  }
0xa3: {  	[sflag:s23] =	ssyncset.done $0x0  }
0xa4: {  	s25 =	simm.s32 $0x1B8E;
	s24 =	sld [smem:$0x3FFE];
	[sflag:s23] =	ssyncadd.s32 $0xFFFFFFFF  }
0xa5: {  	s26 =	simm.s32 $execute0_lowered;
	[smem:$0x3FD2] =	sst s25  }
0xa6: {  	s4 =	sshll.u32 s26, $0x1;
	_ =	strace $0x80000046;
	[dreg:$0x1] =	wrdreg $0xFFFFFFFF  }
0xa7: {  	s28 =	simm.s32 $_size_execute0_lowered;
	s2 =	sadd.s32 s2, s4;
	[dreg:$0x0] =	wrdreg $0x0  }
0xa8: {  	s4 =	sshll.u32 s28, $0x1;
	[dreg:$0x2] =	wrdreg s2  }
0xa9: {  	[dreg:$0x3] =	wrdreg s4  }
0xaa: {  	[dreg:$0x4] =	wrdreg $0xC0  }
0xab: {  	_ =	task [dreg:s6], $0x5FFFF  }
0xac: {  	[dreg:$0x1] =	wrdreg $0xFFFFFFFF  }
0xad: {  	[dreg:$0x0] =	wrdreg $0x60  }
0xae: {  	[dreg:$0x2] =	wrdreg s24  }
0xaf: {  	[dreg:$0x3] =	wrdreg $0x78000  }
0xb0: {  	[dreg:$0x4] =	wrdreg $0x9  }
0xb1: {  	_ =	task.clear_ibuf [dreg:s6], $0x5FFFF;
	_ =	strace $0x90000046  }
0xb2: {  	s29 =	simm.s32 $0x9;
	_ =	strace $0x80000048  }
0xb3: {  	_ =	swait.ge [sflag:s29], $0x1  }
0xb4: {  	[sflag:s29] =	ssyncadd.s32 $0xFFFFFFFF  }
0xb5: {  	_ =	strace $0x90000048  }
0xb6: {  	_ =	sfence  }
0xb7: {  	s30 =	sld [smem:$0x0];
	_ =	sdelay $0x2  }
0xb8: {  	s31 =	sshll.u32 s1, $0xD;
	s1 =	sshrl.u32 s1, $0x2  }
0xb9: {  	s3 =	sand.u32 $0x4000, s31;
	s1 =	sadd.s32 s1, s30  }
0xba: {  	s0 =	sor.u32 s3, s0;
	s1 =	sshll.u32 s1, $0x11  }
0xbb: {  	s0 =	sor.u32 s1, s0  }
0xbc: {  	s0 =	sadd.s32 $0x8F2B, s0  }
0xbd: {  	[sflag:s0] =	ssyncadd.remote.s32 $0x1  }
0xbe: {  	_ =	sfence.sel $0xFFFF  }
0xbf: {  	[dreg:$0x0] =	wrdreg $0xFFFFFFFF;
	(pc) =	sbr.abs _section_cstart, $3  }
0xc0: {  	[dreg:$0x1] =	wrdreg $0xFFFFFFFF  }
0xc1: {  	_ =	task.clear_ibuf [dreg:s6], $0x2FFFF;
	_ =	strace $0x9FFFFFFF  }
0xc2: {  	(tm) =	ssettm $0x7FFFFFFF  }
0xc3: {  	_ =	shalt  }
tec
execute0_lowered:
.L_overlay_start_1:
0x0: {  	(tag) =	ssettag $0x1  }
0x1: {  	s3 =	rddreg [dreg:$0x0]  }
0x2: {  	s9 =	stileid.u32;
	s0 =	srdreg.scid  }
0x3: {  	s1 =	rddreg [dreg:$0x1];
	s2 =	simm.s32 $0x0;
	s12 =	simm.s32 $0x20  }
0x4: {  	s13 =	simm.s32 $0x10;
	s4 =	sand.u32 $0x1, s0;
	s0 =	rddreg [dreg:$0x2]  }
0x5: {  	s14 =	simm.s32 $0x0;
	s5 =	smul.u32 $0x500, s9;
	[smem:$0x7FF] =	sst s2  }
0x6: {  	s7 =	smul.u32 $0xA00, s9;
	p0 =	sne.s32 s9, $0x0;
	s31 =	sshll.u32 s9, $0x6  }
0x7: {  	s9 =	simm.s32 $0x5000;
	s6 =	sshll.u32 s4, $0x7;
	_ =	strace $0x80000047  }
0x8: {  	s29 =	ssub.s32 $0x2, s4;
	s10 =	smul.u32 $0xA000, s4;
	s5 =	sor.u32 s6, s5  }
0x9: {  	s8 =	sadd.s32 s7, s3;
	s30 =	sshrl.u32 s29, $0x1;
	s7 =	sshrl.u32 s7, $0x2  }
0xa: {  	s5 =	sshrl.u32 s5, $0x3;
	s6 =	ssub.s32 s29, s30;
	s11 =	sadd.s32 s7, s1  }
0xb: {  	s7 =	simm.s32 $0x1;
	s5 =	sadd.s32 s5, s3;
	s3 =	sadd.s32 $0x2600, s8  }
0xc: {  	s8 =	simm.s32 $0x80;
	s11 =	sshrl.u32 s11, $0x3;
	s4 =	sadd.s32 $0xC600, s5  }
0xd: {  	v0 =	vimm.f32 $1.000000000e+00;
	s5 =	smax.u32 s6, $0x1;
	s6 =	sshrl.u32 s10, $0x2;
	s10 =	sor.u32 $0x1C01, s31  }
.LBB2_1:
0xe: {  	s15 =	simm.s32 $0x40;
	s16 =	simm.s32 $0x0  }
.LBB2_2:
0xf: {  	p1 =	sne.s32 s15, $0x9FC0;
	[tilespmem:s16+$0x5000] =	vst v0;
	s16 =	smov.u32 s15;
	s15 =	sadd.s32 $0x40, s15  }
.Ltmp0:
0x10: {  	(pc) =	sbr.rel @p1 .LBB2_2-.Ltmp0, $2  }
0x11: {  	_ =	sdelay $0x2  }
0x12: {  	s16 =	sshra.s32 s16, $0x2  }
0x13: {  	[tilespmem:s16+$0x5000] =	vst v0  }
0x14: {  	[tilespmem:s2], [sflag:$0x1] =	stream.linear.gather [hbm4b:s3+s2], $0x5000, $0x38;
	[tilespmem:$0x7A80] =	vst v63  }
0x15: {  	_ =	swait.ge [sflag:s7], $0x5000  }
0x16: {  	[sflag:s7] =	ssyncset.done $0x0  }
0x17: {  	s15 =	simm.s32 @!p0 $0x5000;
	[sflag:s7] =	ssyncadd.s32 $0xFFFFB000  }
0x18: {  	[spmem:s1] =	stream.linear.scatter @!p0 [tilespmem:s15], [sflag:$0x1], $0x2800, $0x38;
	[tilespmem:$0x7A80] =	vst v63  }
0x19: {  	s15 =	simm.s32 @!p0 $0x1  }
0x1a: {  	_ =	swait.ge @!p0 [sflag:s15], $0x2800  }
0x1b: {  	[sflag:s15] =	ssyncset.done @!p0 $0x0  }
0x1c: {  	[sflag:s15] =	ssyncadd.s32 @!p0 $0xFFFFD800  }
0x1d: {  	s31 =	sadd.s32 $0x0, s6;
	[bflag:$0x0] =	sbarrier.arrive $0xFFFF  }
0x1e: {  	[spmem:s1] =	stream.indirect.scatter.add.f32 [tilespmem:s9], [sflag:$0x1], $0x1, s31, s8, $0xb8;
	[tilespmem:$0x7A80] =	vst v63  }
0x1f: {  	s15 =	simm.s32 $0x200;
	_ =	swait.ge [sflag:s7], $0x80  }
.LBB2_4:
0x20: {  	s16 =	sshra.s32 s15, $0x2;
	[sflag:s7] =	ssyncset.done $0x0;
	p1 =	sne.s32 s15, $0x9E00  }
.Ltmp1:
0x21: {  	s16 =	sadd.s32 s16, s6;
	[sflag:s7] =	ssyncadd.s32 $0xFFFFFF80;
	(pc) =	sbr.rel @p1 .LBB2_4-.Ltmp1, $3  }
0x22: {  	[spmem:s1] =	stream.indirect.scatter.add.f32 [tilespmem:s9], [sflag:$0x1], $0x1, s16, s8, $0xb8;
	[tilespmem:$0x7A80] =	vst v63  }
0x23: {  	s15 =	sadd.s32 $0x200, s15;
	_ =	sdelay $0x1  }
0x24: {  	_ =	swait.ge [sflag:s7], $0x80  }
0x25: {  	[sflag:s7] =	ssyncset.done $0x0;
	s14 =	sadd.s32 $0x1, s14  }
0x26: {  	[sflag:s7] =	ssyncadd.s32 $0xFFFFFF80;
	p1 =	sne.s32 s14, s5  }
.Ltmp2:
0x27: {  	[bflag:$0x0] =	sbarrier.arrive $0xFFFF;
	(pc) =	sbr.rel @p1 .LBB2_1-.Ltmp2, $4  }
0x28: {  	[hbm:s4@s12], [sflag:s10] =	dma.strided [spmem:s11@s13], $0x50, s7, $0x10   }
0x29: {  	_ =	swait.ge [sflag:s7], $0x50  }
0x2a: {  	[sflag:s7] =	ssyncset.done $0x0  }
0x2b: {  	[sflag:s7] =	ssyncadd.s32 $0xFFFFFFB0  }
0x2c: {  	_ =	sfence.sel $0x180000  }
0x2d: {  	[bflag:$0x0] =	sbarrier.arrive $0xFFFF  }
0x2e: {  	_ =	strace $0x90000047  }
0x2f: {  	s0 =	sadd.s32 @!p0 $0x100000, s0;
	[bflag:$0x2] =	sbarrier.arrive $0xFFFF  }
0x30: {  	[sflag:s0] =	ssyncadd.tile.s32 @!p0 $0x1;
	_ =	shalt  }
.Lfunc_end2:
_tile_overlayer_lowered:
.L_overlay_start_2:
0x31: {  	(tag) =	ssettag $0x2  }
0x32: {  	s0 =	rddreg [dreg:$0x0];
	s2 =	stileid.u32  }
0x33: {  	s1 =	rddreg [dreg:$0x1];
	p0 =	sne.s32 s2, $0x0  }
0x34: {  	s3 =	rddreg [dreg:$0x2];
	[bflag:$0x3] =	sbarrier.arrive $0xFFFF;
	s2 =	simm.s32 @!p0 $0x1C01  }
0x35: {  	[timem:s3], [sflag:s2] =	dma.local @!p0 [hbm:s0], s1  }
0x36: {  	s0 =	simm.s32 @!p0 $0x1  }
0x37: {  	_ =	swait.ge @!p0 [sflag:s0], s1  }
0x38: {  	s1 =	ssub.s32 @!p0 $0x0, s1;
	[sflag:s0] =	ssyncset.done @!p0 $0x0  }
0x39: {  	[sflag:s0] =	ssyncadd.s32 @!p0 s1  }
0x3a: {  	[bflag:$0x3] =	sbarrier.arrive $0xFFFF  }
0x3b: {  	_ =	shalt  }

</sc_bundles>
